<compile_context>
chip_gen: v7x
topology: tpu7x:2x2x1
jax: 0.10.2.dev20260603
libtpu: 0.0.44.dev20260713+nightly
codegen_flags: <defaults>
</compile_context>

<pallas_src>
import functools

import jax
import jax.numpy as jnp
from jax import lax
from jax.experimental import pallas as pl
from jax.experimental.pallas import tpu as pltpu
from jax.experimental.pallas import tpu_sc as plsc

EMBED = 64


def _sc_gather(table, x):
    bs, seqk = x.shape
    info = plsc.get_sparse_core_info()
    nc, ns = info.num_cores, info.num_subcores
    nw = nc * ns
    b_per_w = bs // nw
    assert bs % nw == 0 and seqk % 2 == 0

    mesh = plsc.VectorSubcoreMesh(core_axis_name="c", subcore_axis_name="s")

    @functools.partial(
        pl.kernel,
        mesh=mesh,
        out_type=jax.ShapeDtypeStruct((bs * seqk, EMBED), jnp.float32),
        scratch_types=[
            pltpu.VMEM((seqk,), jnp.int32),
            pltpu.VMEM((seqk, EMBED), jnp.float32),
            pltpu.SemaphoreType.DMA,
        ],
        compiler_params=pltpu.CompilerParams(use_tc_tiling_on_sc=False),
    )
    def gather_kernel(table_hbm, x_hbm, out_hbm, idx_v, rows_v, sem):
        wid = lax.axis_index("s") * nc + lax.axis_index("c")
        base = wid * b_per_w

        def body(i, carry):
            b = base + i
            pltpu.sync_copy(x_hbm.at[b], idx_v)
            pltpu.async_copy(table_hbm.at[idx_v], rows_v, sem).wait()
            pltpu.sync_copy(rows_v, out_hbm.at[pl.ds(b * seqk, seqk)])
            return carry

        lax.fori_loop(0, b_per_w, body, 0)

    return gather_kernel(table, x)


def _tc_project(g2, wfull, bias2, n_tok):
    m5 = g2.shape[0]
    bm5 = 12800
    assert m5 % bm5 == 0
    grid = m5 // bm5
    bp = bm5 // 5

    def body(g_ref, w_ref, b_ref, o_ref):
        xg = g_ref[...].reshape(bp, 5 * 128)
        acc = jnp.dot(xg, w_ref[...], preferred_element_type=jnp.float32)
        o_ref[...] = jnp.maximum(acc + b_ref[...], 0.0)

    return pl.pallas_call(
        body,
        grid=(grid,),
        in_specs=[
            pl.BlockSpec((bm5, 128), lambda i: (i, 0)),
            pl.BlockSpec((5 * 128, 128), lambda i: (0, 0)),
            pl.BlockSpec((1, 128), lambda i: (0, 0)),
        ],
        out_specs=pl.BlockSpec((bp, 128), lambda i: (i, 0)),
        out_shape=jax.ShapeDtypeStruct((n_tok // 2, 128), jnp.float32),
        compiler_params=pltpu.CompilerParams(
            dimension_semantics=("arbitrary",),
        ),
    )(g2, wfull, bias2)


NSLICE = 4


def kernel(x, table, W, b):
    bs, seq, k = x.shape
    ke = k * EMBED
    v = table.shape[0]
    tablep = jnp.pad(table, ((0, 0), (0, EMBED))).reshape(2 * v, EMBED)
    x2 = (x * 2).reshape(bs, seq * k)
    z = jnp.zeros((ke, EMBED), jnp.float32)
    wfull = jnp.concatenate(
        [jnp.concatenate([W, z], axis=1), jnp.concatenate([z, W], axis=1)],
        axis=0,
    )
    bias2 = jnp.concatenate([b, b]).reshape(1, 2 * EMBED)

    bsl = bs // NSLICE
    outs = []
    for s in range(NSLICE):
        xs = lax.slice_in_dim(x2, s * bsl, (s + 1) * bsl, axis=0)
        g = _sc_gather(tablep, xs)
        g2 = g.reshape(bsl * seq * k // 2, 2 * EMBED)
        outs.append(_tc_project(g2, wfull, bias2, bsl * seq))
    out2 = jnp.concatenate(outs, axis=0)
    return out2.reshape(bs, seq, EMBED)

# --- scband reference (transcript-rebuilt; emitter-appended) ---
"""Pipeline reference for scband-vi-word-embedder-73641509257335 (READ-ONLY COPY).

The authoritative reference and input builder live on the scoring server;
editing this copy changes nothing except your own understanding.
"""

import jax, jax.numpy as jnp
import numpy as np

VOCAB = 1000000
EMBED = 64
PAD = 0
BS = 1024
SEQ = 200

def setup_inputs(seed: int = 0) -> dict:
    key = jax.random.key(seed)
    k1, k2, k3, k4 = jax.random.split(key, 4)
    x = jax.random.randint(k1, (BS, SEQ, 5), 0, VOCAB, dtype=jnp.int32)
    table = jax.random.normal(k2, (VOCAB, EMBED), dtype=jnp.float32)
    table = table.at[PAD].set(0.0)  # padding_idx row is zero
    # nn.Linear(5*EMBED, EMBED): store weight pre-transposed as [in, out]
    W = jax.random.normal(k3, (5 * EMBED, EMBED), dtype=jnp.float32) * (1.0 / np.sqrt(5 * EMBED))
    b = jax.random.normal(k4, (EMBED,), dtype=jnp.float32) * 0.01
    return {"x": x, "table": table, "W": W, "b": b}

def reference(x, table, W, b):
    bs, seq_len = x.shape[:2]
    embedded = jnp.take(table, x, axis=0)            # (bs, seq, 5, embed)
    embedded = embedded.reshape(bs, seq_len, -1)     # (bs, seq, 5*embed)
    out = jax.nn.relu(embedded @ W + b)              # (bs, seq, embed)
    return out

if __name__ == "__main__":
    import jax
    _d = setup_inputs()
    print(jax.jit(kernel)(*tuple(_d.values())))

</pallas_src>

<mosaic_0001>
#map = affine_map<(d0, d1) -> (0, 0)>
module attributes {stable_mosaic.version = 14 : i64} {
  func.func @gather_kernel(%arg0: i32, %arg1: i32, %arg2: memref<2000000x64xf32, #tpu.memory_space<hbm>>, %arg3: memref<256x1000xi32, #tpu.memory_space<hbm>>, %arg4: memref<256000x64xf32, #tpu.memory_space<hbm>>, %arg5: memref<1000xi32, #tpu.memory_space<vmem>>, %arg6: memref<1000x64xf32, #tpu.memory_space<vmem>>, %arg7: memref<!tpu.dma_semaphore, #tpu.memory_space<semaphore_mem>>) attributes {dimension_semantics = [#tpu.dimension_semantics<core_parallel>, #tpu.dimension_semantics<subcore_parallel>], iteration_bounds = array<i64: 2, 16>, scalar_prefetch = 0 : i64, scratch_operands = 3 : i64, tpu.core_type = #tpu.core_type<sc_vector_subcore>, window_params = [{transform_indices = #map}, {transform_indices = #map}, {transform_indices = #map}]} {
    %mul3A = arith.constant 2 : i32
    %mul3A_0 = arith.muli %arg1, %mul3A : i32
    %add3A = arith.addi %mul3A_0, %arg0 : i32
    %mul3A_1 = arith.constant 8 : i32
    %mul3A_2 = arith.muli %add3A, %mul3A_1 : i32
    %scan3A = arith.constant 0 : i32
    %scan3A_3 = arith.constant 0 : i32
    %scan3A_4 = arith.constant 8 : i32
    %scan3A_5 = arith.addi %scan3A_3, %scan3A_4 : i32
    %scan3A_6 = arith.constant 1 : i32
    scf.for %scan3A_8 = %scan3A_3 to %scan3A_5 step %scan3A_6  : i32 {
      %add3A_9 = arith.addi %mul3A_2, %scan3A_8 : i32
      "tpu.region"() ({
        %run_scoped3A = tpu.sem_alloc : memref<!tpu.dma_semaphore, #tpu.memory_space<semaphore_mem>>
        %dma_start3A_16 = arith.constant 0 : i32
        %dma_start3A_17 = tpu.memref_slice %arg3[%add3A_9, %dma_start3A_16] : memref<256x1000xi32, #tpu.memory_space<hbm>> -> memref<1x1000xi32, #tpu.memory_space<hbm>>
        %dma_start3A_18 = tpu.memref_squeeze %dma_start3A_17 : memref<1x1000xi32, #tpu.memory_space<hbm>> -> memref<1000xi32, #tpu.memory_space<hbm>>
        %dma_start3A_19 = arith.constant 0 : i32
        %dma_start3A_20 = tpu.memref_slice %arg3[%add3A_9, %dma_start3A_19] : memref<256x1000xi32, #tpu.memory_space<hbm>> -> memref<1x1000xi32, #tpu.memory_space<hbm>>
        %dma_start3A_21 = tpu.memref_squeeze %dma_start3A_20 : memref<1x1000xi32, #tpu.memory_space<hbm>> -> memref<1000xi32, #tpu.memory_space<hbm>>
        tpu.enqueue_dma source(%dma_start3A_21 : memref<1000xi32, #tpu.memory_space<hbm>>) target(%arg5 : memref<1000xi32, #tpu.memory_space<vmem>>) target_semaphore(%run_scoped3A : memref<!tpu.dma_semaphore, #tpu.memory_space<semaphore_mem>>)
        %dma_wait3A_22 = arith.constant 0 : i32
        %dma_wait3A_23 = tpu.memref_slice %arg3[%add3A_9, %dma_wait3A_22] : memref<256x1000xi32, #tpu.memory_space<hbm>> -> memref<1x1000xi32, #tpu.memory_space<hbm>>
        %dma_wait3A_24 = tpu.memref_squeeze %dma_wait3A_23 : memref<1x1000xi32, #tpu.memory_space<hbm>> -> memref<1000xi32, #tpu.memory_space<hbm>>
        %dma_wait3A_25 = arith.constant 0 : i32
        %dma_wait3A_26 = tpu.memref_slice %arg3[%add3A_9, %dma_wait3A_25] : memref<256x1000xi32, #tpu.memory_space<hbm>> -> memref<1x1000xi32, #tpu.memory_space<hbm>>
        %dma_wait3A_27 = tpu.memref_squeeze %dma_wait3A_26 : memref<1x1000xi32, #tpu.memory_space<hbm>> -> memref<1000xi32, #tpu.memory_space<hbm>>
        tpu.wait_dma2 semaphore(%run_scoped3A : memref<!tpu.dma_semaphore, #tpu.memory_space<semaphore_mem>>) src(%dma_wait3A_27 : memref<1000xi32, #tpu.memory_space<hbm>>) dst(%arg5 : memref<1000xi32, #tpu.memory_space<vmem>>)
        tpu.yield
      }) : () -> ()
      %dma_start3A = arith.constant 0 : i32
      %dma_start3A_10 = arith.constant 0 : i32
      %dma_start3A_11 = tpu.memref_slice %arg2[%dma_start3A, %dma_start3A_10] : memref<2000000x64xf32, #tpu.memory_space<hbm>> -> memref<2000000x64xf32, #tpu.memory_space<hbm>>
      tpu.enqueue_indirect_dma source(%dma_start3A_11 : memref<2000000x64xf32, #tpu.memory_space<hbm>>) target(%arg6 : memref<1000x64xf32, #tpu.memory_space<vmem>>) offsets(%arg5 : memref<1000xi32, #tpu.memory_space<vmem>>) semaphore(%arg7 : memref<!tpu.dma_semaphore, #tpu.memory_space<semaphore_mem>>)
      %dma_wait3A = arith.constant 0 : i32
      %dma_wait3A_12 = arith.constant 0 : i32
      %dma_wait3A_13 = tpu.memref_slice %arg2[%dma_wait3A, %dma_wait3A_12] : memref<2000000x64xf32, #tpu.memory_space<hbm>> -> memref<2000000x64xf32, #tpu.memory_space<hbm>>
      tpu.wait_indirect_dma semaphore(%arg7 : memref<!tpu.dma_semaphore, #tpu.memory_space<semaphore_mem>>) src(%dma_wait3A_13 : memref<2000000x64xf32, #tpu.memory_space<hbm>>) dst(%arg6 : memref<1000x64xf32, #tpu.memory_space<vmem>>)
      %mul3A_14 = arith.constant 1000 : i32
      %mul3A_15 = arith.muli %add3A_9, %mul3A_14 : i32
      "tpu.region"() ({
        %run_scoped3A = tpu.sem_alloc : memref<!tpu.dma_semaphore, #tpu.memory_space<semaphore_mem>>
        %dma_start3A_16 = arith.constant 0 : i32
        %dma_start3A_17 = tpu.memref_slice %arg4[%mul3A_15, %dma_start3A_16] : memref<256000x64xf32, #tpu.memory_space<hbm>> -> memref<1000x64xf32, #tpu.memory_space<hbm>>
        %dma_start3A_18 = arith.constant 0 : i32
        %dma_start3A_19 = tpu.memref_slice %arg4[%mul3A_15, %dma_start3A_18] : memref<256000x64xf32, #tpu.memory_space<hbm>> -> memref<1000x64xf32, #tpu.memory_space<hbm>>
        tpu.enqueue_dma source(%arg6 : memref<1000x64xf32, #tpu.memory_space<vmem>>) target(%dma_start3A_19 : memref<1000x64xf32, #tpu.memory_space<hbm>>) target_semaphore(%run_scoped3A : memref<!tpu.dma_semaphore, #tpu.memory_space<semaphore_mem>>)
        %dma_wait3A_20 = arith.constant 0 : i32
        %dma_wait3A_21 = tpu.memref_slice %arg4[%mul3A_15, %dma_wait3A_20] : memref<256000x64xf32, #tpu.memory_space<hbm>> -> memref<1000x64xf32, #tpu.memory_space<hbm>>
        %dma_wait3A_22 = arith.constant 0 : i32
        %dma_wait3A_23 = tpu.memref_slice %arg4[%mul3A_15, %dma_wait3A_22] : memref<256000x64xf32, #tpu.memory_space<hbm>> -> memref<1000x64xf32, #tpu.memory_space<hbm>>
        tpu.wait_dma2 semaphore(%run_scoped3A : memref<!tpu.dma_semaphore, #tpu.memory_space<semaphore_mem>>) src(%arg6 : memref<1000x64xf32, #tpu.memory_space<vmem>>) dst(%dma_wait3A_23 : memref<1000x64xf32, #tpu.memory_space<hbm>>)
        tpu.yield
      }) : () -> ()
    }
    %scan3A_7 = arith.constant 8 : i32
    return
  }
}

#map = affine_map<(d0, d1) -> (0, 0)>
module attributes {stable_mosaic.version = 14 : i64} {
  func.func @gather_kernel(%arg0: i32, %arg1: i32, %arg2: memref<2000000x64xf32, #tpu.memory_space<hbm>>, %arg3: memref<256x1000xi32, #tpu.memory_space<hbm>>, %arg4: memref<256000x64xf32, #tpu.memory_space<hbm>>, %arg5: memref<1000xi32, #tpu.memory_space<vmem>>, %arg6: memref<1000x64xf32, #tpu.memory_space<vmem>>, %arg7: memref<!tpu.dma_semaphore, #tpu.memory_space<semaphore_mem>>) attributes {dimension_semantics = [#tpu.dimension_semantics<core_parallel>, #tpu.dimension_semantics<subcore_parallel>], iteration_bounds = array<i64: 2, 16>, scalar_prefetch = 0 : i64, scratch_operands = 3 : i64, tpu.core_type = #tpu.core_type<sc_vector_subcore>, window_params = [{transform_indices = #map}, {transform_indices = #map}, {transform_indices = #map}]} {
    %mul3A = arith.constant 2 : i32
    %mul3A_0 = arith.muli %arg1, %mul3A : i32
    %add3A = arith.addi %mul3A_0, %arg0 : i32
    %mul3A_1 = arith.constant 8 : i32
    %mul3A_2 = arith.muli %add3A, %mul3A_1 : i32
    %scan3A = arith.constant 0 : i32
    %scan3A_3 = arith.constant 0 : i32
    %scan3A_4 = arith.constant 8 : i32
    %scan3A_5 = arith.addi %scan3A_3, %scan3A_4 : i32
    %scan3A_6 = arith.constant 1 : i32
    scf.for %scan3A_8 = %scan3A_3 to %scan3A_5 step %scan3A_6  : i32 {
      %add3A_9 = arith.addi %mul3A_2, %scan3A_8 : i32
      "tpu.region"() ({
        %run_scoped3A = tpu.sem_alloc : memref<!tpu.dma_semaphore, #tpu.memory_space<semaphore_mem>>
        %dma_start3A_16 = arith.constant 0 : i32
        %dma_start3A_17 = tpu.memref_slice %arg3[%add3A_9, %dma_start3A_16] : memref<256x1000xi32, #tpu.memory_space<hbm>> -> memref<1x1000xi32, #tpu.memory_space<hbm>>
        %dma_start3A_18 = tpu.memref_squeeze %dma_start3A_17 : memref<1x1000xi32, #tpu.memory_space<hbm>> -> memref<1000xi32, #tpu.memory_space<hbm>>
        %dma_start3A_19 = arith.constant 0 : i32
        %dma_start3A_20 = tpu.memref_slice %arg3[%add3A_9, %dma_start3A_19] : memref<256x1000xi32, #tpu.memory_space<hbm>> -> memref<1x1000xi32, #tpu.memory_space<hbm>>
        %dma_start3A_21 = tpu.memref_squeeze %dma_start3A_20 : memref<1x1000xi32, #tpu.memory_space<hbm>> -> memref<1000xi32, #tpu.memory_space<hbm>>
        tpu.enqueue_dma source(%dma_start3A_21 : memref<1000xi32, #tpu.memory_space<hbm>>) target(%arg5 : memref<1000xi32, #tpu.memory_space<vmem>>) target_semaphore(%run_scoped3A : memref<!tpu.dma_semaphore, #tpu.memory_space<semaphore_mem>>)
        %dma_wait3A_22 = arith.constant 0 : i32
        %dma_wait3A_23 = tpu.memref_slice %arg3[%add3A_9, %dma_wait3A_22] : memref<256x1000xi32, #tpu.memory_space<hbm>> -> memref<1x1000xi32, #tpu.memory_space<hbm>>
        %dma_wait3A_24 = tpu.memref_squeeze %dma_wait3A_23 : memref<1x1000xi32, #tpu.memory_space<hbm>> -> memref<1000xi32, #tpu.memory_space<hbm>>
        %dma_wait3A_25 = arith.constant 0 : i32
        %dma_wait3A_26 = tpu.memref_slice %arg3[%add3A_9, %dma_wait3A_25] : memref<256x1000xi32, #tpu.memory_space<hbm>> -> memref<1x1000xi32, #tpu.memory_space<hbm>>
        %dma_wait3A_27 = tpu.memref_squeeze %dma_wait3A_26 : memref<1x1000xi32, #tpu.memory_space<hbm>> -> memref<1000xi32, #tpu.memory_space<hbm>>
        tpu.wait_dma2 semaphore(%run_scoped3A : memref<!tpu.dma_semaphore, #tpu.memory_space<semaphore_mem>>) src(%dma_wait3A_27 : memref<1000xi32, #tpu.memory_space<hbm>>) dst(%arg5 : memref<1000xi32, #tpu.memory_space<vmem>>)
        tpu.yield
      }) : () -> ()
      %dma_start3A = arith.constant 0 : i32
      %dma_start3A_10 = arith.constant 0 : i32
      %dma_start3A_11 = tpu.memref_slice %arg2[%dma_start3A, %dma_start3A_10] : memref<2000000x64xf32, #tpu.memory_space<hbm>> -> memref<2000000x64xf32, #tpu.memory_space<hbm>>
      tpu.enqueue_indirect_dma source(%dma_start3A_11 : memref<2000000x64xf32, #tpu.memory_space<hbm>>) target(%arg6 : memref<1000x64xf32, #tpu.memory_space<vmem>>) offsets(%arg5 : memref<1000xi32, #tpu.memory_space<vmem>>) semaphore(%arg7 : memref<!tpu.dma_semaphore, #tpu.memory_space<semaphore_mem>>)
      %dma_wait3A = arith.constant 0 : i32
      %dma_wait3A_12 = arith.constant 0 : i32
      %dma_wait3A_13 = tpu.memref_slice %arg2[%dma_wait3A, %dma_wait3A_12] : memref<2000000x64xf32, #tpu.memory_space<hbm>> -> memref<2000000x64xf32, #tpu.memory_space<hbm>>
      tpu.wait_indirect_dma semaphore(%arg7 : memref<!tpu.dma_semaphore, #tpu.memory_space<semaphore_mem>>) src(%dma_wait3A_13 : memref<2000000x64xf32, #tpu.memory_space<hbm>>) dst(%arg6 : memref<1000x64xf32, #tpu.memory_space<vmem>>)
      %mul3A_14 = arith.constant 1000 : i32
      %mul3A_15 = arith.muli %add3A_9, %mul3A_14 : i32
      "tpu.region"() ({
        %run_scoped3A = tpu.sem_alloc : memref<!tpu.dma_semaphore, #tpu.memory_space<semaphore_mem>>
        %dma_start3A_16 = arith.constant 0 : i32
        %dma_start3A_17 = tpu.memref_slice %arg4[%mul3A_15, %dma_start3A_16] : memref<256000x64xf32, #tpu.memory_space<hbm>> -> memref<1000x64xf32, #tpu.memory_space<hbm>>
        %dma_start3A_18 = arith.constant 0 : i32
        %dma_start3A_19 = tpu.memref_slice %arg4[%mul3A_15, %dma_start3A_18] : memref<256000x64xf32, #tpu.memory_space<hbm>> -> memref<1000x64xf32, #tpu.memory_space<hbm>>
        tpu.enqueue_dma source(%arg6 : memref<1000x64xf32, #tpu.memory_space<vmem>>) target(%dma_start3A_19 : memref<1000x64xf32, #tpu.memory_space<hbm>>) target_semaphore(%run_scoped3A : memref<!tpu.dma_semaphore, #tpu.memory_space<semaphore_mem>>)
        %dma_wait3A_20 = arith.constant 0 : i32
        %dma_wait3A_21 = tpu.memref_slice %arg4[%mul3A_15, %dma_wait3A_20] : memref<256000x64xf32, #tpu.memory_space<hbm>> -> memref<1000x64xf32, #tpu.memory_space<hbm>>
        %dma_wait3A_22 = arith.constant 0 : i32
        %dma_wait3A_23 = tpu.memref_slice %arg4[%mul3A_15, %dma_wait3A_22] : memref<256000x64xf32, #tpu.memory_space<hbm>> -> memref<1000x64xf32, #tpu.memory_space<hbm>>
        tpu.wait_dma2 semaphore(%run_scoped3A : memref<!tpu.dma_semaphore, #tpu.memory_space<semaphore_mem>>) src(%arg6 : memref<1000x64xf32, #tpu.memory_space<vmem>>) dst(%dma_wait3A_23 : memref<1000x64xf32, #tpu.memory_space<hbm>>)
        tpu.yield
      }) : () -> ()
    }
    %scan3A_7 = arith.constant 8 : i32
    return
  }
}

#map = affine_map<(d0, d1) -> (0, 0)>
module attributes {stable_mosaic.version = 14 : i64} {
  func.func @gather_kernel(%arg0: i32, %arg1: i32, %arg2: memref<2000000x64xf32, #tpu.memory_space<hbm>>, %arg3: memref<256x1000xi32, #tpu.memory_space<hbm>>, %arg4: memref<256000x64xf32, #tpu.memory_space<hbm>>, %arg5: memref<1000xi32, #tpu.memory_space<vmem>>, %arg6: memref<1000x64xf32, #tpu.memory_space<vmem>>, %arg7: memref<!tpu.dma_semaphore, #tpu.memory_space<semaphore_mem>>) attributes {dimension_semantics = [#tpu.dimension_semantics<core_parallel>, #tpu.dimension_semantics<subcore_parallel>], iteration_bounds = array<i64: 2, 16>, scalar_prefetch = 0 : i64, scratch_operands = 3 : i64, tpu.core_type = #tpu.core_type<sc_vector_subcore>, window_params = [{transform_indices = #map}, {transform_indices = #map}, {transform_indices = #map}]} {
    %mul3A = arith.constant 2 : i32
    %mul3A_0 = arith.muli %arg1, %mul3A : i32
    %add3A = arith.addi %mul3A_0, %arg0 : i32
    %mul3A_1 = arith.constant 8 : i32
    %mul3A_2 = arith.muli %add3A, %mul3A_1 : i32
    %scan3A = arith.constant 0 : i32
    %scan3A_3 = arith.constant 0 : i32
    %scan3A_4 = arith.constant 8 : i32
    %scan3A_5 = arith.addi %scan3A_3, %scan3A_4 : i32
    %scan3A_6 = arith.constant 1 : i32
    scf.for %scan3A_8 = %scan3A_3 to %scan3A_5 step %scan3A_6  : i32 {
      %add3A_9 = arith.addi %mul3A_2, %scan3A_8 : i32
      "tpu.region"() ({
        %run_scoped3A = tpu.sem_alloc : memref<!tpu.dma_semaphore, #tpu.memory_space<semaphore_mem>>
        %dma_start3A_16 = arith.constant 0 : i32
        %dma_start3A_17 = tpu.memref_slice %arg3[%add3A_9, %dma_start3A_16] : memref<256x1000xi32, #tpu.memory_space<hbm>> -> memref<1x1000xi32, #tpu.memory_space<hbm>>
        %dma_start3A_18 = tpu.memref_squeeze %dma_start3A_17 : memref<1x1000xi32, #tpu.memory_space<hbm>> -> memref<1000xi32, #tpu.memory_space<hbm>>
        %dma_start3A_19 = arith.constant 0 : i32
        %dma_start3A_20 = tpu.memref_slice %arg3[%add3A_9, %dma_start3A_19] : memref<256x1000xi32, #tpu.memory_space<hbm>> -> memref<1x1000xi32, #tpu.memory_space<hbm>>
        %dma_start3A_21 = tpu.memref_squeeze %dma_start3A_20 : memref<1x1000xi32, #tpu.memory_space<hbm>> -> memref<1000xi32, #tpu.memory_space<hbm>>
        tpu.enqueue_dma source(%dma_start3A_21 : memref<1000xi32, #tpu.memory_space<hbm>>) target(%arg5 : memref<1000xi32, #tpu.memory_space<vmem>>) target_semaphore(%run_scoped3A : memref<!tpu.dma_semaphore, #tpu.memory_space<semaphore_mem>>)
        %dma_wait3A_22 = arith.constant 0 : i32
        %dma_wait3A_23 = tpu.memref_slice %arg3[%add3A_9, %dma_wait3A_22] : memref<256x1000xi32, #tpu.memory_space<hbm>> -> memref<1x1000xi32, #tpu.memory_space<hbm>>
        %dma_wait3A_24 = tpu.memref_squeeze %dma_wait3A_23 : memref<1x1000xi32, #tpu.memory_space<hbm>> -> memref<1000xi32, #tpu.memory_space<hbm>>
        %dma_wait3A_25 = arith.constant 0 : i32
        %dma_wait3A_26 = tpu.memref_slice %arg3[%add3A_9, %dma_wait3A_25] : memref<256x1000xi32, #tpu.memory_space<hbm>> -> memref<1x1000xi32, #tpu.memory_space<hbm>>
        %dma_wait3A_27 = tpu.memref_squeeze %dma_wait3A_26 : memref<1x1000xi32, #tpu.memory_space<hbm>> -> memref<1000xi32, #tpu.memory_space<hbm>>
        tpu.wait_dma2 semaphore(%run_scoped3A : memref<!tpu.dma_semaphore, #tpu.memory_space<semaphore_mem>>) src(%dma_wait3A_27 : memref<1000xi32, #tpu.memory_space<hbm>>) dst(%arg5 : memref<1000xi32, #tpu.memory_space<vmem>>)
        tpu.yield
      }) : () -> ()
      %dma_start3A = arith.constant 0 : i32
      %dma_start3A_10 = arith.constant 0 : i32
      %dma_start3A_11 = tpu.memref_slice %arg2[%dma_start3A, %dma_start3A_10] : memref<2000000x64xf32, #tpu.memory_space<hbm>> -> memref<2000000x64xf32, #tpu.memory_space<hbm>>
      tpu.enqueue_indirect_dma source(%dma_start3A_11 : memref<2000000x64xf32, #tpu.memory_space<hbm>>) target(%arg6 : memref<1000x64xf32, #tpu.memory_space<vmem>>) offsets(%arg5 : memref<1000xi32, #tpu.memory_space<vmem>>) semaphore(%arg7 : memref<!tpu.dma_semaphore, #tpu.memory_space<semaphore_mem>>)
      %dma_wait3A = arith.constant 0 : i32
      %dma_wait3A_12 = arith.constant 0 : i32
      %dma_wait3A_13 = tpu.memref_slice %arg2[%dma_wait3A, %dma_wait3A_12] : memref<2000000x64xf32, #tpu.memory_space<hbm>> -> memref<2000000x64xf32, #tpu.memory_space<hbm>>
      tpu.wait_indirect_dma semaphore(%arg7 : memref<!tpu.dma_semaphore, #tpu.memory_space<semaphore_mem>>) src(%dma_wait3A_13 : memref<2000000x64xf32, #tpu.memory_space<hbm>>) dst(%arg6 : memref<1000x64xf32, #tpu.memory_space<vmem>>)
      %mul3A_14 = arith.constant 1000 : i32
      %mul3A_15 = arith.muli %add3A_9, %mul3A_14 : i32
      "tpu.region"() ({
        %run_scoped3A = tpu.sem_alloc : memref<!tpu.dma_semaphore, #tpu.memory_space<semaphore_mem>>
        %dma_start3A_16 = arith.constant 0 : i32
        %dma_start3A_17 = tpu.memref_slice %arg4[%mul3A_15, %dma_start3A_16] : memref<256000x64xf32, #tpu.memory_space<hbm>> -> memref<1000x64xf32, #tpu.memory_space<hbm>>
        %dma_start3A_18 = arith.constant 0 : i32
        %dma_start3A_19 = tpu.memref_slice %arg4[%mul3A_15, %dma_start3A_18] : memref<256000x64xf32, #tpu.memory_space<hbm>> -> memref<1000x64xf32, #tpu.memory_space<hbm>>
        tpu.enqueue_dma source(%arg6 : memref<1000x64xf32, #tpu.memory_space<vmem>>) target(%dma_start3A_19 : memref<1000x64xf32, #tpu.memory_space<hbm>>) target_semaphore(%run_scoped3A : memref<!tpu.dma_semaphore, #tpu.memory_space<semaphore_mem>>)
        %dma_wait3A_20 = arith.constant 0 : i32
        %dma_wait3A_21 = tpu.memref_slice %arg4[%mul3A_15, %dma_wait3A_20] : memref<256000x64xf32, #tpu.memory_space<hbm>> -> memref<1000x64xf32, #tpu.memory_space<hbm>>
        %dma_wait3A_22 = arith.constant 0 : i32
        %dma_wait3A_23 = tpu.memref_slice %arg4[%mul3A_15, %dma_wait3A_22] : memref<256000x64xf32, #tpu.memory_space<hbm>> -> memref<1000x64xf32, #tpu.memory_space<hbm>>
        tpu.wait_dma2 semaphore(%run_scoped3A : memref<!tpu.dma_semaphore, #tpu.memory_space<semaphore_mem>>) src(%arg6 : memref<1000x64xf32, #tpu.memory_space<vmem>>) dst(%dma_wait3A_23 : memref<1000x64xf32, #tpu.memory_space<hbm>>)
        tpu.yield
      }) : () -> ()
    }
    %scan3A_7 = arith.constant 8 : i32
    return
  }
}

#map = affine_map<(d0, d1) -> (0, 0)>
module attributes {stable_mosaic.version = 14 : i64} {
  func.func @gather_kernel(%arg0: i32, %arg1: i32, %arg2: memref<2000000x64xf32, #tpu.memory_space<hbm>>, %arg3: memref<256x1000xi32, #tpu.memory_space<hbm>>, %arg4: memref<256000x64xf32, #tpu.memory_space<hbm>>, %arg5: memref<1000xi32, #tpu.memory_space<vmem>>, %arg6: memref<1000x64xf32, #tpu.memory_space<vmem>>, %arg7: memref<!tpu.dma_semaphore, #tpu.memory_space<semaphore_mem>>) attributes {dimension_semantics = [#tpu.dimension_semantics<core_parallel>, #tpu.dimension_semantics<subcore_parallel>], iteration_bounds = array<i64: 2, 16>, scalar_prefetch = 0 : i64, scratch_operands = 3 : i64, tpu.core_type = #tpu.core_type<sc_vector_subcore>, window_params = [{transform_indices = #map}, {transform_indices = #map}, {transform_indices = #map}]} {
    %mul3A = arith.constant 2 : i32
    %mul3A_0 = arith.muli %arg1, %mul3A : i32
    %add3A = arith.addi %mul3A_0, %arg0 : i32
    %mul3A_1 = arith.constant 8 : i32
    %mul3A_2 = arith.muli %add3A, %mul3A_1 : i32
    %scan3A = arith.constant 0 : i32
    %scan3A_3 = arith.constant 0 : i32
    %scan3A_4 = arith.constant 8 : i32
    %scan3A_5 = arith.addi %scan3A_3, %scan3A_4 : i32
    %scan3A_6 = arith.constant 1 : i32
    scf.for %scan3A_8 = %scan3A_3 to %scan3A_5 step %scan3A_6  : i32 {
      %add3A_9 = arith.addi %mul3A_2, %scan3A_8 : i32
      "tpu.region"() ({
        %run_scoped3A = tpu.sem_alloc : memref<!tpu.dma_semaphore, #tpu.memory_space<semaphore_mem>>
        %dma_start3A_16 = arith.constant 0 : i32
        %dma_start3A_17 = tpu.memref_slice %arg3[%add3A_9, %dma_start3A_16] : memref<256x1000xi32, #tpu.memory_space<hbm>> -> memref<1x1000xi32, #tpu.memory_space<hbm>>
        %dma_start3A_18 = tpu.memref_squeeze %dma_start3A_17 : memref<1x1000xi32, #tpu.memory_space<hbm>> -> memref<1000xi32, #tpu.memory_space<hbm>>
        %dma_start3A_19 = arith.constant 0 : i32
        %dma_start3A_20 = tpu.memref_slice %arg3[%add3A_9, %dma_start3A_19] : memref<256x1000xi32, #tpu.memory_space<hbm>> -> memref<1x1000xi32, #tpu.memory_space<hbm>>
        %dma_start3A_21 = tpu.memref_squeeze %dma_start3A_20 : memref<1x1000xi32, #tpu.memory_space<hbm>> -> memref<1000xi32, #tpu.memory_space<hbm>>
        tpu.enqueue_dma source(%dma_start3A_21 : memref<1000xi32, #tpu.memory_space<hbm>>) target(%arg5 : memref<1000xi32, #tpu.memory_space<vmem>>) target_semaphore(%run_scoped3A : memref<!tpu.dma_semaphore, #tpu.memory_space<semaphore_mem>>)
        %dma_wait3A_22 = arith.constant 0 : i32
        %dma_wait3A_23 = tpu.memref_slice %arg3[%add3A_9, %dma_wait3A_22] : memref<256x1000xi32, #tpu.memory_space<hbm>> -> memref<1x1000xi32, #tpu.memory_space<hbm>>
        %dma_wait3A_24 = tpu.memref_squeeze %dma_wait3A_23 : memref<1x1000xi32, #tpu.memory_space<hbm>> -> memref<1000xi32, #tpu.memory_space<hbm>>
        %dma_wait3A_25 = arith.constant 0 : i32
        %dma_wait3A_26 = tpu.memref_slice %arg3[%add3A_9, %dma_wait3A_25] : memref<256x1000xi32, #tpu.memory_space<hbm>> -> memref<1x1000xi32, #tpu.memory_space<hbm>>
        %dma_wait3A_27 = tpu.memref_squeeze %dma_wait3A_26 : memref<1x1000xi32, #tpu.memory_space<hbm>> -> memref<1000xi32, #tpu.memory_space<hbm>>
        tpu.wait_dma2 semaphore(%run_scoped3A : memref<!tpu.dma_semaphore, #tpu.memory_space<semaphore_mem>>) src(%dma_wait3A_27 : memref<1000xi32, #tpu.memory_space<hbm>>) dst(%arg5 : memref<1000xi32, #tpu.memory_space<vmem>>)
        tpu.yield
      }) : () -> ()
      %dma_start3A = arith.constant 0 : i32
      %dma_start3A_10 = arith.constant 0 : i32
      %dma_start3A_11 = tpu.memref_slice %arg2[%dma_start3A, %dma_start3A_10] : memref<2000000x64xf32, #tpu.memory_space<hbm>> -> memref<2000000x64xf32, #tpu.memory_space<hbm>>
      tpu.enqueue_indirect_dma source(%dma_start3A_11 : memref<2000000x64xf32, #tpu.memory_space<hbm>>) target(%arg6 : memref<1000x64xf32, #tpu.memory_space<vmem>>) offsets(%arg5 : memref<1000xi32, #tpu.memory_space<vmem>>) semaphore(%arg7 : memref<!tpu.dma_semaphore, #tpu.memory_space<semaphore_mem>>)
      %dma_wait3A = arith.constant 0 : i32
      %dma_wait3A_12 = arith.constant 0 : i32
      %dma_wait3A_13 = tpu.memref_slice %arg2[%dma_wait3A, %dma_wait3A_12] : memref<2000000x64xf32, #tpu.memory_space<hbm>> -> memref<2000000x64xf32, #tpu.memory_space<hbm>>
      tpu.wait_indirect_dma semaphore(%arg7 : memref<!tpu.dma_semaphore, #tpu.memory_space<semaphore_mem>>) src(%dma_wait3A_13 : memref<2000000x64xf32, #tpu.memory_space<hbm>>) dst(%arg6 : memref<1000x64xf32, #tpu.memory_space<vmem>>)
      %mul3A_14 = arith.constant 1000 : i32
      %mul3A_15 = arith.muli %add3A_9, %mul3A_14 : i32
      "tpu.region"() ({
        %run_scoped3A = tpu.sem_alloc : memref<!tpu.dma_semaphore, #tpu.memory_space<semaphore_mem>>
        %dma_start3A_16 = arith.constant 0 : i32
        %dma_start3A_17 = tpu.memref_slice %arg4[%mul3A_15, %dma_start3A_16] : memref<256000x64xf32, #tpu.memory_space<hbm>> -> memref<1000x64xf32, #tpu.memory_space<hbm>>
        %dma_start3A_18 = arith.constant 0 : i32
        %dma_start3A_19 = tpu.memref_slice %arg4[%mul3A_15, %dma_start3A_18] : memref<256000x64xf32, #tpu.memory_space<hbm>> -> memref<1000x64xf32, #tpu.memory_space<hbm>>
        tpu.enqueue_dma source(%arg6 : memref<1000x64xf32, #tpu.memory_space<vmem>>) target(%dma_start3A_19 : memref<1000x64xf32, #tpu.memory_space<hbm>>) target_semaphore(%run_scoped3A : memref<!tpu.dma_semaphore, #tpu.memory_space<semaphore_mem>>)
        %dma_wait3A_20 = arith.constant 0 : i32
        %dma_wait3A_21 = tpu.memref_slice %arg4[%mul3A_15, %dma_wait3A_20] : memref<256000x64xf32, #tpu.memory_space<hbm>> -> memref<1000x64xf32, #tpu.memory_space<hbm>>
        %dma_wait3A_22 = arith.constant 0 : i32
        %dma_wait3A_23 = tpu.memref_slice %arg4[%mul3A_15, %dma_wait3A_22] : memref<256000x64xf32, #tpu.memory_space<hbm>> -> memref<1000x64xf32, #tpu.memory_space<hbm>>
        tpu.wait_dma2 semaphore(%run_scoped3A : memref<!tpu.dma_semaphore, #tpu.memory_space<semaphore_mem>>) src(%arg6 : memref<1000x64xf32, #tpu.memory_space<vmem>>) dst(%dma_wait3A_23 : memref<1000x64xf32, #tpu.memory_space<hbm>>)
        tpu.yield
      }) : () -> ()
    }
    %scan3A_7 = arith.constant 8 : i32
    return
  }
}

module attributes {stable_mosaic.version = 14 : i64} {
  func.func @body(%arg0: i32, %arg1: memref<12800x128xf32, #tpu.memory_space<vmem>>, %arg2: memref<640x128xf32, #tpu.memory_space<vmem>>, %arg3: memref<1x128xf32, #tpu.memory_space<vmem>>, %arg4: memref<2560x128xf32, #tpu.memory_space<vmem>>) attributes {dimension_semantics = [#tpu.dimension_semantics<arbitrary>], iteration_bounds = array<i64: 10>, scalar_prefetch = 0 : i64, scratch_operands = 0 : i64, tpu.core_type = #tpu.core_type<tc>, window_params = [{transform_indices = @transform_0, window_bounds = array<i64: 12800, 128>}, {pipeline_mode = #tpu.pipeline_mode<synchronous>, transform_indices = @transform_1, window_bounds = array<i64: 640, 128>}, {pipeline_mode = #tpu.pipeline_mode<synchronous>, transform_indices = @transform_2, window_bounds = array<i64: 1, 128>}, {transform_indices = @transform_3, window_bounds = array<i64: 2560, 128>}]} {
    %get3A = arith.constant 0 : index
    %get3A_0 = arith.constant 0 : index
    %get3A_1 = vector.load %arg1[%get3A, %get3A_0] : memref<12800x128xf32, #tpu.memory_space<vmem>>, vector<12800x128xf32>
    %reshape3A = vector.shape_cast %get3A_1 : vector<12800x128xf32> to vector<2560x640xf32>
    %get3A_2 = arith.constant 0 : index
    %get3A_3 = arith.constant 0 : index
    %get3A_4 = vector.load %arg2[%get3A_2, %get3A_3] : memref<640x128xf32, #tpu.memory_space<vmem>>, vector<640x128xf32>
    %dot_general3A = arith.constant dense<0.000000e+00> : vector<2560x128xf32>
    %dot_general3A_5 = tpu.matmul %reshape3A, %get3A_4, %dot_general3A {dimension_numbers = #tpu.dot_dimension_numbers<[1], [0], [0], [1], [0, 0, 1, 1], [], []>, transpose_lhs_hint = false} : vector<2560x640xf32>, vector<640x128xf32>, vector<2560x128xf32> -> vector<2560x128xf32>
    %get3A_6 = arith.constant 0 : index
    %get3A_7 = arith.constant 0 : index
    %get3A_8 = vector.load %arg3[%get3A_6, %get3A_7] : memref<1x128xf32, #tpu.memory_space<vmem>>, vector<1x128xf32>
    %add3A = vector.broadcast %get3A_8 : vector<1x128xf32> to vector<2560x128xf32>
    %add3A_9 = arith.addf %dot_general3A_5, %add3A : vector<2560x128xf32>
    %max3A = arith.constant 0.000000e+00 : f32
    %max3A_10 = vector.broadcast %max3A : f32 to vector<2560x128xf32>
    %max3A_11 = arith.maximumf %add3A_9, %max3A_10 : vector<2560x128xf32>
    %swap3A = arith.constant 0 : index
    %swap3A_12 = arith.constant 0 : index
    %swap3A_13 = vector.load %arg4[%swap3A, %swap3A_12] : memref<2560x128xf32, #tpu.memory_space<vmem>>, vector<2560x128xf32>
    tpu.vector_store %arg4[%swap3A, %swap3A_12], %max3A_11 {strides = array<i32>} : memref<2560x128xf32, #tpu.memory_space<vmem>>, vector<2560x128xf32>,
    return
  }
  func.func @transform_0(%arg0: i32) -> (i32, i32) {
    %c0_i32 = arith.constant 0 : i32
    %c0_i32_0 = arith.constant 0 : i32
    return %arg0, %c0_i32 : i32, i32
  }
  func.func @transform_1(%arg0: i32) -> (i32, i32) {
    %c0_i32 = arith.constant 0 : i32
    %c0_i32_0 = arith.constant 0 : i32
    %c0_i32_1 = arith.constant 0 : i32
    return %c0_i32, %c0_i32_0 : i32, i32
  }
  func.func @transform_2(%arg0: i32) -> (i32, i32) {
    %c0_i32 = arith.constant 0 : i32
    %c0_i32_0 = arith.constant 0 : i32
    %c0_i32_1 = arith.constant 0 : i32
    return %c0_i32, %c0_i32_0 : i32, i32
  }
  func.func @transform_3(%arg0: i32) -> (i32, i32) {
    %c0_i32 = arith.constant 0 : i32
    %c0_i32_0 = arith.constant 0 : i32
    return %arg0, %c0_i32 : i32, i32
  }
}

</mosaic_0001>

<sc_bundles>
// kernel: kernel.10.cloned.1.call-start
scs
__scs_entry_jumppad:
0x0: {  	(pc) =	sbr.rel $0x88, $3  }
0x1: {  	(tag) =	ssettag $0x0;
	lr =	simm.s32 $0x1  }
0x2: {  	[smem:$0x3F9D] =	sst lr;
	_ =	strace $0xD0000000  }
0x3: {  	_ = 	snop  }
0x4: {  	_ = 	snop  }
0x5: {  	_ = 	snop  }
0x6: {  	_ = 	snop  }
0x7: {  	_ = 	snop  }
__scs_overlays_trampoline_lowered:
0x8: {  	[smem:$0x3FAC] =	sst s0  }
0x9: {  	[smem:$0x3FAD] =	sst s1  }
0xa: {  	[smem:$0x3FAE] =	sst s2  }
0xb: {  	[smem:$0x3FAF] =	sst s3  }
0xc: {  	[smem:$0x3FB0] =	sst s4  }
0xd: {  	[smem:$0x3FB1] =	sst s5  }
0xe: {  	[smem:$0x3FB2] =	sst s6  }
0xf: {  	[smem:$0x3FB3] =	sst s7  }
0x10: {  	[smem:$0x3FB4] =	sst s8  }
0x11: {  	[smem:$0x3FB5] =	sst s9;
	s0 =	simm.s32 @!p0 $0x0  }
0x12: {  	s1 =	sld [smem:$0x3F9B];
	s0 =	simm.s32 @p0 $0x1  }
0x13: {  	[smem:$0x3FB6] =	sst s0;
	s0 =	simm.s32 @!p1 $0x0  }
0x14: {  	s2 =	sld [smem:$0x3F9A];
	s0 =	simm.s32 @p1 $0x1  }
0x15: {  	[smem:$0x3FB7] =	sst s0;
	s0 =	simm.s32 @!p2 $0x0  }
0x16: {  	s3 =	sld [smem:$0x3FDB];
	s0 =	simm.s32 @p2 $0x1  }
0x17: {  	s4 =	simm.s32 $0x1BF5;
	[smem:$0x3FB9] =	sst s0  }
0x18: {  	s0 =	sld [smem:$0x3F9C];
	_ =	swait.ge [sflag:s4], $0x0  }
0x19: {  	s7 =	sld [smem:$0x3F9D]  }
0x1a: {  	s8 =	sadd.s32 $0xFFFFE003, lr  }
0x1b: {  	s9 =	sadd.s32 $0xFFFFFEF7, lr;
	s5 =	simm.s32 $0xFFFFFFFF;
	p2 =	slt.u32 s8, $0xFFFFF086  }
0x1c: {  	p1 =	slt.u32 s9, $0xF7A;
	s5 =	simm.s32 @!p2 $0x0  }
0x1d: {  	s5 =	simm.s32 @p1 $0x1;
	p0 =	seq.s32 s7, s2  }
0x1e: {  	s7 =	smul.u32 @!p0 $0xF7A, s2;
	p2 =	seq.s32 @!p0 s5, $0x0  }
0x1f: {  	s9 =	smul.u32 $0xF7A, s1;
	s8 =	simm.s32 @!p0 $0x1BF5;
	p2 =	por !p2, p0  }
0x20: {  	[sflag:s8] =	ssyncset.s32 @!p0 $0xFFFFF086;
	s6 =	sadd.s32 @!p0 s3, s7;
	s7 =	simm.s32 @!p0 $0x108  }
0x21: {  	s3 =	sadd.s32 s3, s9;
	s6 =	sadd.s32 @!p0 $0x88, s6;
	s7 =	simm.s32 @p2 $0x1082  }
0x22: {  	[simem:s7], [sflag:s8] =	dma.local @!p0 [hbm:s6], $0xF7A  }
0x23: {  	s9 =	sor.u32 $0xD0000000, s2;
	s6 =	simm.s32 $0x108;
	_ =	swait.ge @!p0 [sflag:s8], $0x0  }
0x24: {  	s3 =	sadd.s32 $0x88, s3;
	s6 =	simm.s32 @!p1 $0x1082;
	[sflag:s4] =	ssyncset.s32 $0xFFFFF086  }
0x25: {  	[simem:s6], [sflag:s4] =	dma.local [hbm:s3], $0xF7A  }
0x26: {  	[smem:$0x3F9D] =	sst s1;
	(tag) =	ssettag s2;
	_ =	strace s9  }
0x27: {  	s1 =	sld [smem:$0x3FAD]  }
0x28: {  	s2 =	sld [smem:$0x3FAE]  }
0x29: {  	s4 =	sld [smem:$0x3FB0]  }
0x2a: {  	p0 =	seq.s32 s5, $0x0;
	s5 =	sld [smem:$0x3FB1]  }
0x2b: {  	s6 =	sld [smem:$0x3FB2]  }
0x2c: {  	s7 =	sld [smem:$0x3FB3]  }
0x2d: {  	s3 =	simm.s32 $0x108;
	s8 =	sld [smem:$0x3FB4]  }
0x2e: {  	s3 =	simm.s32 @!p0 $0x1082;
	s9 =	sld [smem:$0x3FB5]  }
0x2f: {  	lr =	sadd.s32 s0, s3;
	s0 =	sld [smem:$0x3FAC]  }
0x30: {  	s3 =	sld [smem:$0x3FAF]  }
0x31: {  	[smem:$0x3FB8] =	sst s10  }
0x32: {  	s10 =	sld [smem:$0x3FB6];
	_ =	sdelay $0x3  }
0x33: {  	p0 =	seq.s32 s10, $0x1;
	s10 =	sld [smem:$0x3FB8];
	_ =	sdelay $0x3  }
0x34: {  	[smem:$0x3FB8] =	sst s10  }
0x35: {  	s10 =	sld [smem:$0x3FB7];
	_ =	sdelay $0x3  }
0x36: {  	p1 =	seq.s32 s10, $0x1;
	s10 =	sld [smem:$0x3FB8];
	_ =	sdelay $0x3  }
0x37: {  	[smem:$0x3FB8] =	sst s10  }
0x38: {  	s10 =	sld [smem:$0x3FB9]  }
0x39: {  	_ = 	snop;
	(pc) =	sbr.ind lr, $3  }
0x3a: {  	_ = 	snop  }
0x3b: {  	_ = 	snop  }
0x3c: {  	p2 =	seq.s32 s10, $0x1;
	s10 =	sld [smem:$0x3FB8]  }
0x3d: {  	_ =	shalt  }
0x3e: {  	_ =	shalt  }
0x3f: {  	_ =	shalt  }
0x40: {  	_ =	shalt  }
0x41: {  	_ =	shalt  }
0x42: {  	_ =	shalt  }
0x43: {  	_ =	shalt  }
0x44: {  	_ =	shalt  }
0x45: {  	_ =	shalt  }
0x46: {  	_ =	shalt  }
0x47: {  	_ =	shalt  }
0x48: {  	_ =	shalt  }
0x49: {  	_ =	shalt  }
0x4a: {  	_ =	shalt  }
0x4b: {  	_ =	shalt  }
0x4c: {  	_ =	shalt  }
0x4d: {  	_ =	shalt  }
0x4e: {  	_ =	shalt  }
0x4f: {  	_ =	shalt  }
0x50: {  	_ =	shalt  }
0x51: {  	_ =	shalt  }
0x52: {  	_ =	shalt  }
0x53: {  	_ =	shalt  }
0x54: {  	_ =	shalt  }
0x55: {  	_ =	shalt  }
0x56: {  	_ =	shalt  }
0x57: {  	_ =	shalt  }
0x58: {  	_ =	shalt  }
0x59: {  	_ =	shalt  }
0x5a: {  	_ =	shalt  }
0x5b: {  	_ =	shalt  }
0x5c: {  	_ =	shalt  }
0x5d: {  	_ =	shalt  }
0x5e: {  	_ =	shalt  }
0x5f: {  	_ =	shalt  }
0x60: {  	_ =	shalt  }
0x61: {  	_ =	shalt  }
0x62: {  	_ =	shalt  }
0x63: {  	_ =	shalt  }
0x64: {  	_ =	shalt  }
0x65: {  	_ =	shalt  }
0x66: {  	_ =	shalt  }
0x67: {  	_ =	shalt  }
0x68: {  	_ =	shalt  }
0x69: {  	_ =	shalt  }
0x6a: {  	_ =	shalt  }
0x6b: {  	_ =	shalt  }
0x6c: {  	_ =	shalt  }
0x6d: {  	_ =	shalt  }
0x6e: {  	_ =	shalt  }
0x6f: {  	_ =	shalt  }
0x70: {  	_ =	shalt  }
0x71: {  	_ =	shalt  }
0x72: {  	_ =	shalt  }
0x73: {  	_ =	shalt  }
0x74: {  	_ =	shalt  }
0x75: {  	_ =	shalt  }
0x76: {  	_ =	shalt  }
0x77: {  	_ =	shalt  }
0x78: {  	_ =	shalt  }
0x79: {  	_ =	shalt  }
0x7a: {  	_ =	shalt  }
0x7b: {  	_ =	shalt  }
0x7c: {  	_ =	shalt  }
0x7d: {  	_ =	shalt  }
0x7e: {  	_ =	shalt  }
0x7f: {  	_ =	shalt  }
0x80: {  	_ =	shalt  }
0x81: {  	_ =	shalt  }
0x82: {  	_ =	shalt  }
0x83: {  	_ =	shalt  }
0x84: {  	_ =	shalt  }
0x85: {  	_ =	shalt  }
0x86: {  	_ =	shalt  }
0x87: {  	_ =	shalt  }
.Lfunc_end0:
.L_simem_size_0:
called_computation.2_lowered:
.L_overlay_start_0:
0x88: {  	s2 =	sld [smem:$0x3FD9]  }
0x89: {  	s3 =	sld [smem:$0x3FFE];
	_ =	sdelay $0x1  }
0x8a: {  	s1 =	srdreg.scid  }
0x8b: {  	s0 =	sand.u32 $0x1, s1  }
0x8c: {  	s17 =	sshll.u32 s0, $0xA;
	s2 =	sadd.s32 s3, s2  }
0x8d: {  	s2 =	sadd.s32 s2, s17  }
0x8e: {  	[smem:$0x3FC4] =	sst s2  }
0x8f: {  	_ = 	snop  }
0x90: {  	s18 =	sld [smem:$0x3FD0];
	(tm) =	ssettm $0x1  }
0x91: {  	s19 =	sld [smem:$0x3FFB];
	_ =	sdelay $0x3  }
0x92: {  	_ =	strace s19  }
0x93: {  	s2 =	sld [smem:$0x3FFC];
	_ =	sdelay $0x3  }
0x94: {  	_ =	strace s2  }
0x95: {  	s2 =	sld [smem:$0x3FFD];
	_ =	sdelay $0x3  }
0x96: {  	_ =	strace s2  }
0x97: {  	_ =	strace $0x8FFFFFFF  }
0x98: {  	s20 =	sld [smem:$0x3FDB];
	_ =	sdelay $0x1  }
0x99: {  	s4 =	simm.s32 $_scs_section_size  }
0x9a: {  	s5 =	simm.s32 $_size__tile_overlayer_lowered;
	s6 =	simm.s32 $_tile_overlayer_lowered  }
0x9b: {  	s7 =	simm.s32 $0x1BFF;
	s21 =	sshll.u32 s6, $0x1;
	s4 =	sadd.s32 s4, s20  }
0x9c: {  	s22 =	simm.s32 $0x0;
	s5 =	sshll.u32 s5, $0x1;
	s6 =	sadd.s32 s21, s4  }
0x9d: {  	[timem:s22], [sflag:s7] =	dma.local [hbm:s6], s5  }
0x9e: {  	_ =	swait.ge [sflag:s7], s5  }
0x9f: {  	s5 =	ssub.s32 $0x0, s5;
	[sflag:s7] =	ssyncset.done $0x0  }
0xa0: {  	[sflag:s7] =	ssyncadd.s32 s5;
	_ =	sdelay $0x1  }
0xa1: {  	s23 =	simm.s32 $0x1B8B  }
0xa2: {  	_ =	swait.ge [sflag:s23], $0x1  }
0xa3: {  	[sflag:s23] =	ssyncset.done $0x0  }
0xa4: {  	[sflag:s23] =	ssyncadd.s32 $0xFFFFFFFF  }
0xa5: {  	s5 =	sld [smem:$0x0]  }
0xa6: {  	s6 =	sand.u32 $0xFFFFFFFE, s1  }
0xa7: {  	p0 =	sne.s32 s1, s6  }
0xa8: {  	s6 =	sshll.u32 @p0 s6, $0xE  }
0xa9: {  	s6 =	sadd.s32 @p0 $0x11B8D, s6;
	s7 =	sshll.u32 @p0 s5, $0x11  }
0xaa: {  	s6 =	sor.u32 @p0 s7, s6  }
0xab: {  	[sflag:s6] =	ssyncadd.remote.s32 @p0 $0x1;
	_ =	sdelay $0x1  }
0xac: {  	s6 =	simm.s32 @p0 $0x1B8D  }
0xad: {  	_ =	swait.eq @p0 [sflag:s6], $0x1  }
0xae: {  	[sflag:s6] =	ssyncadd.s32 @p0 $0xFFFFFFFF  }
0xaf: {  	s7 =	sshll.u32 @!p0 s1, $0xE  }
0xb0: {  	s7 =	sor.u32 @!p0 $0x4000, s7;
	s6 =	simm.s32 @!p0 $0x1B8D  }
0xb1: {  	s5 =	sshll.u32 @!p0 s5, $0x11;
	s7 =	sadd.s32 @!p0 $0x11B8D, s7;
	_ =	swait.eq @!p0 [sflag:s6], $0x1  }
0xb2: {  	s5 =	sor.u32 @!p0 s5, s7;
	[sflag:s6] =	ssyncadd.s32 @!p0 $0xFFFFFFFF  }
0xb3: {  	s25 =	simm.s32 $0x1B8E;
	s24 =	sld [smem:$0x3FFE];
	[sflag:s5] =	ssyncadd.remote.s32 @!p0 $0x1  }
0xb4: {  	s26 =	simm.s32 $execute0_lowered;
	[smem:$0x3FD2] =	sst s25  }
0xb5: {  	s6 =	sshll.u32 s26, $0x1;
	_ =	strace $0x80000052;
	[dreg:$0x1] =	wrdreg $0xFFFFFFFF  }
0xb6: {  	s28 =	simm.s32 $_size_execute0_lowered;
	s4 =	sadd.s32 s4, s6;
	[dreg:$0x0] =	wrdreg $0x0  }
0xb7: {  	s6 =	sshll.u32 s28, $0x1;
	[dreg:$0x2] =	wrdreg s4  }
0xb8: {  	[dreg:$0x3] =	wrdreg s6  }
0xb9: {  	[dreg:$0x4] =	wrdreg $0xC0  }
0xba: {  	_ =	task [dreg:s22], $0x5FFFF  }
0xbb: {  	[dreg:$0x1] =	wrdreg $0xFFFFFFFF  }
0xbc: {  	[dreg:$0x0] =	wrdreg $0x60  }
0xbd: {  	[dreg:$0x2] =	wrdreg s24  }
0xbe: {  	[dreg:$0x3] =	wrdreg s18  }
0xbf: {  	[dreg:$0x4] =	wrdreg $0x9  }
0xc0: {  	_ =	task.clear_ibuf [dreg:s22], $0x5FFFF;
	_ =	strace $0x90000052  }
0xc1: {  	s29 =	simm.s32 $0x9;
	_ =	strace $0x80000054  }
0xc2: {  	_ =	swait.ge [sflag:s29], $0x1  }
0xc3: {  	[sflag:s29] =	ssyncadd.s32 $0xFFFFFFFF  }
0xc4: {  	_ =	strace $0x90000054  }
0xc5: {  	_ =	sfence  }
0xc6: {  	s30 =	sld [smem:$0x0];
	_ =	sdelay $0x2  }
0xc7: {  	s31 =	sshll.u32 s1, $0xD;
	s1 =	sshrl.u32 s1, $0x2  }
0xc8: {  	s4 =	sand.u32 $0x4000, s31;
	s1 =	sadd.s32 s1, s30  }
0xc9: {  	s0 =	sor.u32 s4, s0;
	s1 =	sshll.u32 s1, $0x11  }
0xca: {  	s0 =	sor.u32 s1, s0  }
0xcb: {  	s0 =	sadd.s32 $0x8F2B, s0  }
0xcc: {  	[sflag:s0] =	ssyncadd.remote.s32 $0x1  }
0xcd: {  	_ =	sfence.sel $0xFFFF  }
0xce: {  	[dreg:$0x0] =	wrdreg $0xFFFFFFFF;
	(pc) =	sbr.abs _section_cstart, $3  }
0xcf: {  	[dreg:$0x1] =	wrdreg $0xFFFFFFFF  }
0xd0: {  	_ =	task.clear_ibuf [dreg:s22], $0x2FFFF;
	_ =	strace $0x9FFFFFFF  }
0xd1: {  	(tm) =	ssettm $0x7FFFFFFF  }
tec
execute0_lowered:
.L_overlay_start_1:
0x0: {  	(tag) =	ssettag $0x1  }
0x1: {  	s3 =	rddreg [dreg:$0x0]  }
0x2: {  	s5 =	rddreg [dreg:$0x1];
	s1 =	stileid.u32  }
0x3: {  	s2 =	simm.s32 $0x0;
	s4 =	srdreg.scid;
	s6 =	smul.u32 $0x1F400, s1  }
0x4: {  	[smem:$0x7FF] =	sst s2;
	s4 =	sand.u32 $0x1, s4;
	s8 =	smul.u32 $0x7D0, s1  }
0x5: {  	s0 =	rddreg [dreg:$0x2];
	_ =	strace $0x80000053;
	s10 =	smul.u32 $0xFA00, s4  }
0x6: {  	s7 =	ssub.s32 $0x2, s4;
	s31 =	smul.u32 $0x3E8, s4;
	s6 =	sadd.s32 s6, s3  }
0x7: {  	s9 =	sshrl.u32 s7, $0x1;
	s3 =	sadd.s32 $0xF5CC00, s3;
	s5 =	sadd.s32 s8, s5  }
0x8: {  	s8 =	simm.s32 $0x3E8;
	s7 =	ssub.s32 s7, s9;
	s6 =	sadd.s32 s10, s6  }
0x9: {  	s5 =	sadd.s32 s31, s5;
	s9 =	simm.s32 $0x1;
	s10 =	simm.s32 $0x0  }
0xa: {  	s4 =	smax.u32 s7, $0x1;
	s6 =	sadd.s32 $0x5EEA00, s6;
	s7 =	simm.s32 $0x2  }
.LBB2_1:
0xb: {  	s11 =	sadd.s32 $0x0, s5  }
0xc: {  	[tilespmem:s2], [sflag:$0x2] =	stream.linear.gather [hbm4b:s11+s2], $0x3E8, $0x38;
	[tilespmem:$0xFDE8] =	vst v63  }
0xd: {  	_ =	swait.ge [sflag:s7], $0x3E8  }
0xe: {  	[sflag:s7] =	ssyncset.done $0x0  }
0xf: {  	[sflag:s7] =	ssyncadd.s32 $0xFFFFFC18  }
0x10: {  	[tilespmem:s8], [sflag:$0x1] =	stream.indirect.gather [hbm4b:s3+s8], $0x40, s2, s8, $0xb8;
	[tilespmem:$0xFDE8] =	vst v63  }
0x11: {  	_ =	swait.ge [sflag:s9], $0xFA00  }
0x12: {  	[sflag:s9] =	ssyncset.done $0x0  }
0x13: {  	[sflag:s9] =	ssyncadd.s32 $0xFFFF0600  }
0x14: {  	[hbm4b:s6+s2] =	stream.linear.scatter [tilespmem:s8], [sflag:$0x2], $0xFA00, $0x38;
	[tilespmem:$0xFDE8] =	vst v63  }
0x15: {  	s12 =	simm.s32 $0x7D;
	_ =	swait.ge [sflag:s7], $0xFA00  }
0x16: {  	s13 =	simm.s32 $0xFA;
	s11 =	sadd.s32 $0x1F40, s6;
	[sflag:s7] =	ssyncset.done $0x0  }
.LBB2_2:
0x17: {  	s14 =	sadd.s32 s12, s5  }
0x18: {  	[sflag:s7] =	ssyncadd.s32 $0xFFFF0600;
	s12 =	smov.u32 s13;
	s15 =	sadd.s32 $0x7D, s13  }
0x19: {  	[tilespmem:s2], [sflag:$0x2] =	stream.linear.gather [hbm4b:s14+s2], $0x3E8, $0x38;
	[tilespmem:$0xFDE8] =	vst v63  }
0x1a: {  	p0 =	sne.s32 s13, $0x36B;
	_ =	swait.ge [sflag:s7], $0x3E8  }
0x1b: {  	[sflag:s7] =	ssyncset.done $0x0  }
0x1c: {  	[sflag:s7] =	ssyncadd.s32 $0xFFFFFC18  }
0x1d: {  	[tilespmem:s8], [sflag:$0x1] =	stream.indirect.gather [hbm4b:s3+s8], $0x40, s2, s8, $0xb8;
	[tilespmem:$0xFDE8] =	vst v63  }
0x1e: {  	_ =	swait.ge [sflag:s9], $0xFA00  }
.Ltmp0:
0x1f: {  	[sflag:s9] =	ssyncset.done $0x0;
	(pc) =	sbr.rel @p0 .LBB2_2-.Ltmp0, $4  }
0x20: {  	[sflag:s9] =	ssyncadd.s32 $0xFFFF0600  }
0x21: {  	[hbm4b:s11+s2] =	stream.linear.scatter [tilespmem:s8], [sflag:$0x2], $0xFA00, $0x38;
	[tilespmem:$0xFDE8] =	vst v63  }
0x22: {  	_ =	swait.ge [sflag:s7], $0xFA00  }
0x23: {  	s13 =	smov.u32 s15;
	s11 =	sadd.s32 $0x1F40, s11;
	[sflag:s7] =	ssyncset.done $0x0  }
0x24: {  	s12 =	sadd.s32 s12, s5;
	[sflag:s7] =	ssyncadd.s32 $0xFFFF0600  }
0x25: {  	[tilespmem:s2], [sflag:$0x2] =	stream.linear.gather [hbm4b:s12+s2], $0x3E8, $0x38;
	[tilespmem:$0xFDE8] =	vst v63  }
0x26: {  	_ =	swait.ge [sflag:s7], $0x3E8  }
0x27: {  	[sflag:s7] =	ssyncset.done $0x0  }
0x28: {  	[sflag:s7] =	ssyncadd.s32 $0xFFFFFC18  }
0x29: {  	[tilespmem:s8], [sflag:$0x1] =	stream.indirect.gather [hbm4b:s3+s8], $0x40, s2, s8, $0xb8;
	[tilespmem:$0xFDE8] =	vst v63  }
0x2a: {  	s10 =	sadd.s32 $0x1, s10;
	_ =	swait.ge [sflag:s9], $0xFA00  }
0x2b: {  	p0 =	sne.s32 s10, s4;
	[sflag:s9] =	ssyncset.done $0x0  }
.Ltmp1:
0x2c: {  	[sflag:s9] =	ssyncadd.s32 $0xFFFF0600;
	(pc) =	sbr.rel @p0 .LBB2_1-.Ltmp1, $4  }
0x2d: {  	[hbm4b:s11+s2] =	stream.linear.scatter [tilespmem:s8], [sflag:$0x2], $0xFA00, $0x38;
	[tilespmem:$0xFDE8] =	vst v63  }
0x2e: {  	_ =	swait.ge [sflag:s7], $0xFA00  }
0x2f: {  	[sflag:s7] =	ssyncset.done $0x0  }
0x30: {  	[sflag:s7] =	ssyncadd.s32 $0xFFFF0600  }
0x31: {  	_ =	sfence.sel $0x180000  }
0x32: {  	[bflag:$0x0] =	sbarrier.arrive $0xFFFF  }
0x33: {  	p0 =	sne.s32 s1, $0x0;
	_ =	strace $0x90000053  }
0x34: {  	s0 =	sadd.s32 @!p0 $0x100000, s0;
	[bflag:$0x2] =	sbarrier.arrive $0xFFFF  }
0x35: {  	[sflag:s0] =	ssyncadd.tile.s32 @!p0 $0x1;
	_ =	shalt  }
.Lfunc_end2:
_tile_overlayer_lowered:
.L_overlay_start_2:
0x36: {  	(tag) =	ssettag $0x2  }
0x37: {  	s0 =	rddreg [dreg:$0x0];
	s2 =	stileid.u32  }
0x38: {  	s1 =	rddreg [dreg:$0x1];
	p0 =	sne.s32 s2, $0x0  }
0x39: {  	s3 =	rddreg [dreg:$0x2];
	[bflag:$0x3] =	sbarrier.arrive $0xFFFF;
	s2 =	simm.s32 @!p0 $0x1C02  }
0x3a: {  	[timem:s3], [sflag:s2] =	dma.local @!p0 [hbm:s0], s1  }
0x3b: {  	s0 =	simm.s32 @!p0 $0x2  }
0x3c: {  	_ =	swait.ge @!p0 [sflag:s0], s1  }
0x3d: {  	s1 =	ssub.s32 @!p0 $0x0, s1;
	[sflag:s0] =	ssyncset.done @!p0 $0x0  }
0x3e: {  	[sflag:s0] =	ssyncadd.s32 @!p0 s1  }
0x3f: {  	[bflag:$0x3] =	sbarrier.arrive $0xFFFF  }
0x40: {  	_ =	shalt  }

// kernel: kernel.13.cloned.1.call-start
scs
__scs_entry_jumppad:
0x0: {  	(pc) =	sbr.rel $0x88, $3  }
0x1: {  	(tag) =	ssettag $0x0;
	lr =	simm.s32 $0x1  }
0x2: {  	[smem:$0x3F9D] =	sst lr;
	_ =	strace $0xD0000000  }
0x3: {  	_ = 	snop  }
0x4: {  	_ = 	snop  }
0x5: {  	_ = 	snop  }
0x6: {  	_ = 	snop  }
0x7: {  	_ = 	snop  }
__scs_overlays_trampoline_lowered:
0x8: {  	[smem:$0x3FAC] =	sst s0  }
0x9: {  	[smem:$0x3FAD] =	sst s1  }
0xa: {  	[smem:$0x3FAE] =	sst s2  }
0xb: {  	[smem:$0x3FAF] =	sst s3  }
0xc: {  	[smem:$0x3FB0] =	sst s4  }
0xd: {  	[smem:$0x3FB1] =	sst s5  }
0xe: {  	[smem:$0x3FB2] =	sst s6  }
0xf: {  	[smem:$0x3FB3] =	sst s7  }
0x10: {  	[smem:$0x3FB4] =	sst s8  }
0x11: {  	[smem:$0x3FB5] =	sst s9;
	s0 =	simm.s32 @!p0 $0x0  }
0x12: {  	s1 =	sld [smem:$0x3F9B];
	s0 =	simm.s32 @p0 $0x1  }
0x13: {  	[smem:$0x3FB6] =	sst s0;
	s0 =	simm.s32 @!p1 $0x0  }
0x14: {  	s2 =	sld [smem:$0x3F9A];
	s0 =	simm.s32 @p1 $0x1  }
0x15: {  	[smem:$0x3FB7] =	sst s0;
	s0 =	simm.s32 @!p2 $0x0  }
0x16: {  	s3 =	sld [smem:$0x3FDB];
	s0 =	simm.s32 @p2 $0x1  }
0x17: {  	s4 =	simm.s32 $0x1BF5;
	[smem:$0x3FB9] =	sst s0  }
0x18: {  	s0 =	sld [smem:$0x3F9C];
	_ =	swait.ge [sflag:s4], $0x0  }
0x19: {  	s7 =	sld [smem:$0x3F9D]  }
0x1a: {  	s8 =	sadd.s32 $0xFFFFE003, lr  }
0x1b: {  	s9 =	sadd.s32 $0xFFFFFEF7, lr;
	s5 =	simm.s32 $0xFFFFFFFF;
	p2 =	slt.u32 s8, $0xFFFFF086  }
0x1c: {  	p1 =	slt.u32 s9, $0xF7A;
	s5 =	simm.s32 @!p2 $0x0  }
0x1d: {  	s5 =	simm.s32 @p1 $0x1;
	p0 =	seq.s32 s7, s2  }
0x1e: {  	s7 =	smul.u32 @!p0 $0xF7A, s2;
	p2 =	seq.s32 @!p0 s5, $0x0  }
0x1f: {  	s9 =	smul.u32 $0xF7A, s1;
	s8 =	simm.s32 @!p0 $0x1BF5;
	p2 =	por !p2, p0  }
0x20: {  	[sflag:s8] =	ssyncset.s32 @!p0 $0xFFFFF086;
	s6 =	sadd.s32 @!p0 s3, s7;
	s7 =	simm.s32 @!p0 $0x108  }
0x21: {  	s3 =	sadd.s32 s3, s9;
	s6 =	sadd.s32 @!p0 $0x88, s6;
	s7 =	simm.s32 @p2 $0x1082  }
0x22: {  	[simem:s7], [sflag:s8] =	dma.local @!p0 [hbm:s6], $0xF7A  }
0x23: {  	s9 =	sor.u32 $0xD0000000, s2;
	s6 =	simm.s32 $0x108;
	_ =	swait.ge @!p0 [sflag:s8], $0x0  }
0x24: {  	s3 =	sadd.s32 $0x88, s3;
	s6 =	simm.s32 @!p1 $0x1082;
	[sflag:s4] =	ssyncset.s32 $0xFFFFF086  }
0x25: {  	[simem:s6], [sflag:s4] =	dma.local [hbm:s3], $0xF7A  }
0x26: {  	[smem:$0x3F9D] =	sst s1;
	(tag) =	ssettag s2;
	_ =	strace s9  }
0x27: {  	s1 =	sld [smem:$0x3FAD]  }
0x28: {  	s2 =	sld [smem:$0x3FAE]  }
0x29: {  	s4 =	sld [smem:$0x3FB0]  }
0x2a: {  	p0 =	seq.s32 s5, $0x0;
	s5 =	sld [smem:$0x3FB1]  }
0x2b: {  	s6 =	sld [smem:$0x3FB2]  }
0x2c: {  	s7 =	sld [smem:$0x3FB3]  }
0x2d: {  	s3 =	simm.s32 $0x108;
	s8 =	sld [smem:$0x3FB4]  }
0x2e: {  	s3 =	simm.s32 @!p0 $0x1082;
	s9 =	sld [smem:$0x3FB5]  }
0x2f: {  	lr =	sadd.s32 s0, s3;
	s0 =	sld [smem:$0x3FAC]  }
0x30: {  	s3 =	sld [smem:$0x3FAF]  }
0x31: {  	[smem:$0x3FB8] =	sst s10  }
0x32: {  	s10 =	sld [smem:$0x3FB6];
	_ =	sdelay $0x3  }
0x33: {  	p0 =	seq.s32 s10, $0x1;
	s10 =	sld [smem:$0x3FB8];
	_ =	sdelay $0x3  }
0x34: {  	[smem:$0x3FB8] =	sst s10  }
0x35: {  	s10 =	sld [smem:$0x3FB7];
	_ =	sdelay $0x3  }
0x36: {  	p1 =	seq.s32 s10, $0x1;
	s10 =	sld [smem:$0x3FB8];
	_ =	sdelay $0x3  }
0x37: {  	[smem:$0x3FB8] =	sst s10  }
0x38: {  	s10 =	sld [smem:$0x3FB9]  }
0x39: {  	_ = 	snop;
	(pc) =	sbr.ind lr, $3  }
0x3a: {  	_ = 	snop  }
0x3b: {  	_ = 	snop  }
0x3c: {  	p2 =	seq.s32 s10, $0x1;
	s10 =	sld [smem:$0x3FB8]  }
0x3d: {  	_ =	shalt  }
0x3e: {  	_ =	shalt  }
0x3f: {  	_ =	shalt  }
0x40: {  	_ =	shalt  }
0x41: {  	_ =	shalt  }
0x42: {  	_ =	shalt  }
0x43: {  	_ =	shalt  }
0x44: {  	_ =	shalt  }
0x45: {  	_ =	shalt  }
0x46: {  	_ =	shalt  }
0x47: {  	_ =	shalt  }
0x48: {  	_ =	shalt  }
0x49: {  	_ =	shalt  }
0x4a: {  	_ =	shalt  }
0x4b: {  	_ =	shalt  }
0x4c: {  	_ =	shalt  }
0x4d: {  	_ =	shalt  }
0x4e: {  	_ =	shalt  }
0x4f: {  	_ =	shalt  }
0x50: {  	_ =	shalt  }
0x51: {  	_ =	shalt  }
0x52: {  	_ =	shalt  }
0x53: {  	_ =	shalt  }
0x54: {  	_ =	shalt  }
0x55: {  	_ =	shalt  }
0x56: {  	_ =	shalt  }
0x57: {  	_ =	shalt  }
0x58: {  	_ =	shalt  }
0x59: {  	_ =	shalt  }
0x5a: {  	_ =	shalt  }
0x5b: {  	_ =	shalt  }
0x5c: {  	_ =	shalt  }
0x5d: {  	_ =	shalt  }
0x5e: {  	_ =	shalt  }
0x5f: {  	_ =	shalt  }
0x60: {  	_ =	shalt  }
0x61: {  	_ =	shalt  }
0x62: {  	_ =	shalt  }
0x63: {  	_ =	shalt  }
0x64: {  	_ =	shalt  }
0x65: {  	_ =	shalt  }
0x66: {  	_ =	shalt  }
0x67: {  	_ =	shalt  }
0x68: {  	_ =	shalt  }
0x69: {  	_ =	shalt  }
0x6a: {  	_ =	shalt  }
0x6b: {  	_ =	shalt  }
0x6c: {  	_ =	shalt  }
0x6d: {  	_ =	shalt  }
0x6e: {  	_ =	shalt  }
0x6f: {  	_ =	shalt  }
0x70: {  	_ =	shalt  }
0x71: {  	_ =	shalt  }
0x72: {  	_ =	shalt  }
0x73: {  	_ =	shalt  }
0x74: {  	_ =	shalt  }
0x75: {  	_ =	shalt  }
0x76: {  	_ =	shalt  }
0x77: {  	_ =	shalt  }
0x78: {  	_ =	shalt  }
0x79: {  	_ =	shalt  }
0x7a: {  	_ =	shalt  }
0x7b: {  	_ =	shalt  }
0x7c: {  	_ =	shalt  }
0x7d: {  	_ =	shalt  }
0x7e: {  	_ =	shalt  }
0x7f: {  	_ =	shalt  }
0x80: {  	_ =	shalt  }
0x81: {  	_ =	shalt  }
0x82: {  	_ =	shalt  }
0x83: {  	_ =	shalt  }
0x84: {  	_ =	shalt  }
0x85: {  	_ =	shalt  }
0x86: {  	_ =	shalt  }
0x87: {  	_ =	shalt  }
.Lfunc_end0:
.L_simem_size_0:
called_computation.3_lowered:
.L_overlay_start_0:
0x88: {  	s2 =	sld [smem:$0x3FD9]  }
0x89: {  	s3 =	sld [smem:$0x3FFE];
	_ =	sdelay $0x1  }
0x8a: {  	s1 =	srdreg.scid  }
0x8b: {  	s0 =	sand.u32 $0x1, s1  }
0x8c: {  	s16 =	sshll.u32 s0, $0xA;
	s2 =	sadd.s32 s3, s2  }
0x8d: {  	s2 =	sadd.s32 s2, s16  }
0x8e: {  	[smem:$0x3FC4] =	sst s2  }
0x8f: {  	_ = 	snop  }
0x90: {  	(tm) =	ssettm $0x1  }
0x91: {  	s17 =	sld [smem:$0x3FFB];
	_ =	sdelay $0x3  }
0x92: {  	_ =	strace s17  }
0x93: {  	s2 =	sld [smem:$0x3FFC];
	_ =	sdelay $0x3  }
0x94: {  	_ =	strace s2  }
0x95: {  	s2 =	sld [smem:$0x3FFD];
	_ =	sdelay $0x3  }
0x96: {  	_ =	strace s2  }
0x97: {  	_ =	strace $0x8FFFFFFF  }
0x98: {  	s18 =	sld [smem:$0x3FDB];
	_ =	sdelay $0x1  }
0x99: {  	s19 =	simm.s32 $_scs_section_size  }
0x9a: {  	s4 =	simm.s32 $_size__tile_overlayer_lowered;
	s5 =	simm.s32 $_tile_overlayer_lowered  }
0x9b: {  	s22 =	simm.s32 $0x1BFF;
	s21 =	sshll.u32 s5, $0x1;
	s2 =	sadd.s32 s19, s18  }
0x9c: {  	s6 =	simm.s32 $0x0;
	s20 =	sshll.u32 s4, $0x1;
	s4 =	sadd.s32 s21, s2  }
0x9d: {  	[timem:s6], [sflag:s22] =	dma.local [hbm:s4], s20  }
0x9e: {  	_ =	swait.ge [sflag:s22], s20  }
0x9f: {  	s3 =	ssub.s32 $0x0, s20;
	[sflag:s22] =	ssyncset.done $0x0  }
0xa0: {  	[sflag:s22] =	ssyncadd.s32 s3;
	_ =	sdelay $0x1  }
0xa1: {  	s23 =	simm.s32 $0x1B8B  }
0xa2: {  	_ =	swait.ge [sflag:s23], $0x1  }
0xa3: {  	[sflag:s23] =	ssyncset.done $0x0  }
0xa4: {  	s25 =	simm.s32 $0x1B8E;
	s24 =	sld [smem:$0x3FFE];
	[sflag:s23] =	ssyncadd.s32 $0xFFFFFFFF  }
0xa5: {  	s26 =	simm.s32 $execute0_lowered;
	[smem:$0x3FD2] =	sst s25  }
0xa6: {  	s4 =	sshll.u32 s26, $0x1;
	_ =	strace $0x80000049;
	[dreg:$0x1] =	wrdreg $0xFFFFFFFF  }
0xa7: {  	s28 =	simm.s32 $_size_execute0_lowered;
	s2 =	sadd.s32 s2, s4;
	[dreg:$0x0] =	wrdreg $0x0  }
0xa8: {  	s4 =	sshll.u32 s28, $0x1;
	[dreg:$0x2] =	wrdreg s2  }
0xa9: {  	[dreg:$0x3] =	wrdreg s4  }
0xaa: {  	[dreg:$0x4] =	wrdreg $0xC0  }
0xab: {  	_ =	task [dreg:s6], $0x5FFFF  }
0xac: {  	[dreg:$0x1] =	wrdreg $0xFFFFFFFF  }
0xad: {  	[dreg:$0x0] =	wrdreg $0x60  }
0xae: {  	[dreg:$0x2] =	wrdreg s24  }
0xaf: {  	[dreg:$0x3] =	wrdreg $0xA  }
0xb0: {  	_ =	task.clear_ibuf [dreg:s6], $0x4FFFF;
	_ =	strace $0x90000049  }
0xb1: {  	s29 =	simm.s32 $0xA;
	_ =	strace $0x8000004B  }
0xb2: {  	_ =	swait.ge [sflag:s29], $0x1  }
0xb3: {  	[sflag:s29] =	ssyncadd.s32 $0xFFFFFFFF  }
0xb4: {  	_ =	strace $0x9000004B  }
0xb5: {  	_ =	sfence  }
0xb6: {  	s30 =	sld [smem:$0x0];
	_ =	sdelay $0x2  }
0xb7: {  	s31 =	sshll.u32 s1, $0xD;
	s1 =	sshrl.u32 s1, $0x2  }
0xb8: {  	s3 =	sand.u32 $0x4000, s31;
	s1 =	sadd.s32 s1, s30  }
0xb9: {  	s0 =	sor.u32 s3, s0;
	s1 =	sshll.u32 s1, $0x11  }
0xba: {  	s0 =	sor.u32 s1, s0  }
0xbb: {  	s0 =	sadd.s32 $0x8F2B, s0  }
0xbc: {  	[sflag:s0] =	ssyncadd.remote.s32 $0x1  }
0xbd: {  	_ =	sfence.sel $0xFFFF  }
0xbe: {  	[dreg:$0x0] =	wrdreg $0xFFFFFFFF;
	(pc) =	sbr.abs _section_cstart, $3  }
0xbf: {  	[dreg:$0x1] =	wrdreg $0xFFFFFFFF  }
0xc0: {  	_ =	task.clear_ibuf [dreg:s6], $0x2FFFF;
	_ =	strace $0x9FFFFFFF  }
0xc1: {  	(tm) =	ssettm $0x7FFFFFFF  }
tec
execute0_lowered:
.L_overlay_start_1:
0x0: {  	(tag) =	ssettag $0x1  }
0x1: {  	s4 =	rddreg [dreg:$0x0]  }
0x2: {  	s0 =	rddreg [dreg:$0x1];
	s1 =	stileid.u32  }
0x3: {  	s2 =	simm.s32 $0x0;
	s3 =	srdreg.scid;
	s5 =	smul.u32 $0x7D0, s1  }
0x4: {  	[smem:$0x7FF] =	sst s2;
	s6 =	smul.u32 $0x1F400, s1;
	s7 =	sand.u32 $0x1, s3  }
0x5: {  	s3 =	sadd.s32 $0xF5CC00, s4;
	s8 =	ssub.s32 $0x2, s7;
	s9 =	smul.u32 $0x3E8, s7  }
0x6: {  	_ =	strace $0x8000004A;
	s7 =	smul.u32 $0xFA00, s7;
	s10 =	sshrl.u32 s8, $0x1  }
0x7: {  	s5 =	sadd.s32 s5, s4;
	s6 =	sadd.s32 s6, s4;
	s31 =	ssub.s32 s8, s10  }
0x8: {  	s5 =	sadd.s32 s9, s5;
	s6 =	sadd.s32 s7, s6;
	s7 =	simm.s32 $0x2  }
0x9: {  	s8 =	simm.s32 $0x3E8;
	s9 =	simm.s32 $0x1;
	s10 =	simm.s32 $0x0  }
0xa: {  	s4 =	smax.u32 s31, $0x1;
	s5 =	sadd.s32 $0xF54E00, s5;
	s6 =	sadd.s32 $0x2E00, s6  }
.LBB2_1:
0xb: {  	s11 =	sadd.s32 $0x0, s5  }
0xc: {  	[tilespmem:s2], [sflag:$0x2] =	stream.linear.gather [hbm4b:s11+s2], $0x3E8, $0x38;
	[tilespmem:$0xFDE8] =	vst v63  }
0xd: {  	_ =	swait.ge [sflag:s7], $0x3E8  }
0xe: {  	[sflag:s7] =	ssyncset.done $0x0  }
0xf: {  	[sflag:s7] =	ssyncadd.s32 $0xFFFFFC18  }
0x10: {  	[tilespmem:s8], [sflag:$0x1] =	stream.indirect.gather [hbm4b:s3+s8], $0x40, s2, s8, $0xb8;
	[tilespmem:$0xFDE8] =	vst v63  }
0x11: {  	_ =	swait.ge [sflag:s9], $0xFA00  }
0x12: {  	[sflag:s9] =	ssyncset.done $0x0  }
0x13: {  	[sflag:s9] =	ssyncadd.s32 $0xFFFF0600  }
0x14: {  	[hbm4b:s6+s2] =	stream.linear.scatter [tilespmem:s8], [sflag:$0x2], $0xFA00, $0x38;
	[tilespmem:$0xFDE8] =	vst v63  }
0x15: {  	s12 =	simm.s32 $0x7D;
	_ =	swait.ge [sflag:s7], $0xFA00  }
0x16: {  	s13 =	simm.s32 $0xFA;
	s11 =	sadd.s32 $0x1F40, s6;
	[sflag:s7] =	ssyncset.done $0x0  }
.LBB2_2:
0x17: {  	s14 =	sadd.s32 s12, s5  }
0x18: {  	[sflag:s7] =	ssyncadd.s32 $0xFFFF0600;
	s12 =	smov.u32 s13;
	s15 =	sadd.s32 $0x7D, s13  }
0x19: {  	[tilespmem:s2], [sflag:$0x2] =	stream.linear.gather [hbm4b:s14+s2], $0x3E8, $0x38;
	[tilespmem:$0xFDE8] =	vst v63  }
0x1a: {  	p0 =	sne.s32 s13, $0x36B;
	_ =	swait.ge [sflag:s7], $0x3E8  }
0x1b: {  	[sflag:s7] =	ssyncset.done $0x0  }
0x1c: {  	[sflag:s7] =	ssyncadd.s32 $0xFFFFFC18  }
0x1d: {  	[tilespmem:s8], [sflag:$0x1] =	stream.indirect.gather [hbm4b:s3+s8], $0x40, s2, s8, $0xb8;
	[tilespmem:$0xFDE8] =	vst v63  }
0x1e: {  	_ =	swait.ge [sflag:s9], $0xFA00  }
.Ltmp0:
0x1f: {  	[sflag:s9] =	ssyncset.done $0x0;
	(pc) =	sbr.rel @p0 .LBB2_2-.Ltmp0, $4  }
0x20: {  	[sflag:s9] =	ssyncadd.s32 $0xFFFF0600  }
0x21: {  	[hbm4b:s11+s2] =	stream.linear.scatter [tilespmem:s8], [sflag:$0x2], $0xFA00, $0x38;
	[tilespmem:$0xFDE8] =	vst v63  }
0x22: {  	_ =	swait.ge [sflag:s7], $0xFA00  }
0x23: {  	s13 =	smov.u32 s15;
	s11 =	sadd.s32 $0x1F40, s11;
	[sflag:s7] =	ssyncset.done $0x0  }
0x24: {  	s12 =	sadd.s32 s12, s5;
	[sflag:s7] =	ssyncadd.s32 $0xFFFF0600  }
0x25: {  	[tilespmem:s2], [sflag:$0x2] =	stream.linear.gather [hbm4b:s12+s2], $0x3E8, $0x38;
	[tilespmem:$0xFDE8] =	vst v63  }
0x26: {  	_ =	swait.ge [sflag:s7], $0x3E8  }
0x27: {  	[sflag:s7] =	ssyncset.done $0x0  }
0x28: {  	[sflag:s7] =	ssyncadd.s32 $0xFFFFFC18  }
0x29: {  	[tilespmem:s8], [sflag:$0x1] =	stream.indirect.gather [hbm4b:s3+s8], $0x40, s2, s8, $0xb8;
	[tilespmem:$0xFDE8] =	vst v63  }
0x2a: {  	s10 =	sadd.s32 $0x1, s10;
	_ =	swait.ge [sflag:s9], $0xFA00  }
0x2b: {  	p0 =	sne.s32 s10, s4;
	[sflag:s9] =	ssyncset.done $0x0  }
.Ltmp1:
0x2c: {  	[sflag:s9] =	ssyncadd.s32 $0xFFFF0600;
	(pc) =	sbr.rel @p0 .LBB2_1-.Ltmp1, $4  }
0x2d: {  	[hbm4b:s11+s2] =	stream.linear.scatter [tilespmem:s8], [sflag:$0x2], $0xFA00, $0x38;
	[tilespmem:$0xFDE8] =	vst v63  }
0x2e: {  	_ =	swait.ge [sflag:s7], $0xFA00  }
0x2f: {  	[sflag:s7] =	ssyncset.done $0x0  }
0x30: {  	[sflag:s7] =	ssyncadd.s32 $0xFFFF0600  }
0x31: {  	_ =	sfence.sel $0x180000  }
0x32: {  	[bflag:$0x0] =	sbarrier.arrive $0xFFFF  }
0x33: {  	p0 =	sne.s32 s1, $0x0;
	_ =	strace $0x9000004A  }
0x34: {  	s0 =	sadd.s32 @!p0 $0x100000, s0;
	[bflag:$0x2] =	sbarrier.arrive $0xFFFF  }
0x35: {  	[sflag:s0] =	ssyncadd.tile.s32 @!p0 $0x1;
	_ =	shalt  }
.Lfunc_end2:
_tile_overlayer_lowered:
.L_overlay_start_2:
0x36: {  	(tag) =	ssettag $0x2  }
0x37: {  	s0 =	rddreg [dreg:$0x0];
	s2 =	stileid.u32  }
0x38: {  	s1 =	rddreg [dreg:$0x1];
	p0 =	sne.s32 s2, $0x0  }
0x39: {  	s3 =	rddreg [dreg:$0x2];
	[bflag:$0x3] =	sbarrier.arrive $0xFFFF;
	s2 =	simm.s32 @!p0 $0x1C02  }
0x3a: {  	[timem:s3], [sflag:s2] =	dma.local @!p0 [hbm:s0], s1  }
0x3b: {  	s0 =	simm.s32 @!p0 $0x2  }
0x3c: {  	_ =	swait.ge @!p0 [sflag:s0], s1  }
0x3d: {  	s1 =	ssub.s32 @!p0 $0x0, s1;
	[sflag:s0] =	ssyncset.done @!p0 $0x0  }
0x3e: {  	[sflag:s0] =	ssyncadd.s32 @!p0 s1  }
0x3f: {  	[bflag:$0x3] =	sbarrier.arrive $0xFFFF  }
0x40: {  	_ =	shalt  }

// kernel: kernel.16.cloned.1.call-start
scs
__scs_entry_jumppad:
0x0: {  	(pc) =	sbr.rel $0x88, $3  }
0x1: {  	(tag) =	ssettag $0x0;
	lr =	simm.s32 $0x1  }
0x2: {  	[smem:$0x3F9D] =	sst lr;
	_ =	strace $0xD0000000  }
0x3: {  	_ = 	snop  }
0x4: {  	_ = 	snop  }
0x5: {  	_ = 	snop  }
0x6: {  	_ = 	snop  }
0x7: {  	_ = 	snop  }
__scs_overlays_trampoline_lowered:
0x8: {  	[smem:$0x3FAC] =	sst s0  }
0x9: {  	[smem:$0x3FAD] =	sst s1  }
0xa: {  	[smem:$0x3FAE] =	sst s2  }
0xb: {  	[smem:$0x3FAF] =	sst s3  }
0xc: {  	[smem:$0x3FB0] =	sst s4  }
0xd: {  	[smem:$0x3FB1] =	sst s5  }
0xe: {  	[smem:$0x3FB2] =	sst s6  }
0xf: {  	[smem:$0x3FB3] =	sst s7  }
0x10: {  	[smem:$0x3FB4] =	sst s8  }
0x11: {  	[smem:$0x3FB5] =	sst s9;
	s0 =	simm.s32 @!p0 $0x0  }
0x12: {  	s1 =	sld [smem:$0x3F9B];
	s0 =	simm.s32 @p0 $0x1  }
0x13: {  	[smem:$0x3FB6] =	sst s0;
	s0 =	simm.s32 @!p1 $0x0  }
0x14: {  	s2 =	sld [smem:$0x3F9A];
	s0 =	simm.s32 @p1 $0x1  }
0x15: {  	[smem:$0x3FB7] =	sst s0;
	s0 =	simm.s32 @!p2 $0x0  }
0x16: {  	s3 =	sld [smem:$0x3FDB];
	s0 =	simm.s32 @p2 $0x1  }
0x17: {  	s4 =	simm.s32 $0x1BF5;
	[smem:$0x3FB9] =	sst s0  }
0x18: {  	s0 =	sld [smem:$0x3F9C];
	_ =	swait.ge [sflag:s4], $0x0  }
0x19: {  	s7 =	sld [smem:$0x3F9D]  }
0x1a: {  	s8 =	sadd.s32 $0xFFFFE003, lr  }
0x1b: {  	s9 =	sadd.s32 $0xFFFFFEF7, lr;
	s5 =	simm.s32 $0xFFFFFFFF;
	p2 =	slt.u32 s8, $0xFFFFF086  }
0x1c: {  	p1 =	slt.u32 s9, $0xF7A;
	s5 =	simm.s32 @!p2 $0x0  }
0x1d: {  	s5 =	simm.s32 @p1 $0x1;
	p0 =	seq.s32 s7, s2  }
0x1e: {  	s7 =	smul.u32 @!p0 $0xF7A, s2;
	p2 =	seq.s32 @!p0 s5, $0x0  }
0x1f: {  	s9 =	smul.u32 $0xF7A, s1;
	s8 =	simm.s32 @!p0 $0x1BF5;
	p2 =	por !p2, p0  }
0x20: {  	[sflag:s8] =	ssyncset.s32 @!p0 $0xFFFFF086;
	s6 =	sadd.s32 @!p0 s3, s7;
	s7 =	simm.s32 @!p0 $0x108  }
0x21: {  	s3 =	sadd.s32 s3, s9;
	s6 =	sadd.s32 @!p0 $0x88, s6;
	s7 =	simm.s32 @p2 $0x1082  }
0x22: {  	[simem:s7], [sflag:s8] =	dma.local @!p0 [hbm:s6], $0xF7A  }
0x23: {  	s9 =	sor.u32 $0xD0000000, s2;
	s6 =	simm.s32 $0x108;
	_ =	swait.ge @!p0 [sflag:s8], $0x0  }
0x24: {  	s3 =	sadd.s32 $0x88, s3;
	s6 =	simm.s32 @!p1 $0x1082;
	[sflag:s4] =	ssyncset.s32 $0xFFFFF086  }
0x25: {  	[simem:s6], [sflag:s4] =	dma.local [hbm:s3], $0xF7A  }
0x26: {  	[smem:$0x3F9D] =	sst s1;
	(tag) =	ssettag s2;
	_ =	strace s9  }
0x27: {  	s1 =	sld [smem:$0x3FAD]  }
0x28: {  	s2 =	sld [smem:$0x3FAE]  }
0x29: {  	s4 =	sld [smem:$0x3FB0]  }
0x2a: {  	p0 =	seq.s32 s5, $0x0;
	s5 =	sld [smem:$0x3FB1]  }
0x2b: {  	s6 =	sld [smem:$0x3FB2]  }
0x2c: {  	s7 =	sld [smem:$0x3FB3]  }
0x2d: {  	s3 =	simm.s32 $0x108;
	s8 =	sld [smem:$0x3FB4]  }
0x2e: {  	s3 =	simm.s32 @!p0 $0x1082;
	s9 =	sld [smem:$0x3FB5]  }
0x2f: {  	lr =	sadd.s32 s0, s3;
	s0 =	sld [smem:$0x3FAC]  }
0x30: {  	s3 =	sld [smem:$0x3FAF]  }
0x31: {  	[smem:$0x3FB8] =	sst s10  }
0x32: {  	s10 =	sld [smem:$0x3FB6];
	_ =	sdelay $0x3  }
0x33: {  	p0 =	seq.s32 s10, $0x1;
	s10 =	sld [smem:$0x3FB8];
	_ =	sdelay $0x3  }
0x34: {  	[smem:$0x3FB8] =	sst s10  }
0x35: {  	s10 =	sld [smem:$0x3FB7];
	_ =	sdelay $0x3  }
0x36: {  	p1 =	seq.s32 s10, $0x1;
	s10 =	sld [smem:$0x3FB8];
	_ =	sdelay $0x3  }
0x37: {  	[smem:$0x3FB8] =	sst s10  }
0x38: {  	s10 =	sld [smem:$0x3FB9]  }
0x39: {  	_ = 	snop;
	(pc) =	sbr.ind lr, $3  }
0x3a: {  	_ = 	snop  }
0x3b: {  	_ = 	snop  }
0x3c: {  	p2 =	seq.s32 s10, $0x1;
	s10 =	sld [smem:$0x3FB8]  }
0x3d: {  	_ =	shalt  }
0x3e: {  	_ =	shalt  }
0x3f: {  	_ =	shalt  }
0x40: {  	_ =	shalt  }
0x41: {  	_ =	shalt  }
0x42: {  	_ =	shalt  }
0x43: {  	_ =	shalt  }
0x44: {  	_ =	shalt  }
0x45: {  	_ =	shalt  }
0x46: {  	_ =	shalt  }
0x47: {  	_ =	shalt  }
0x48: {  	_ =	shalt  }
0x49: {  	_ =	shalt  }
0x4a: {  	_ =	shalt  }
0x4b: {  	_ =	shalt  }
0x4c: {  	_ =	shalt  }
0x4d: {  	_ =	shalt  }
0x4e: {  	_ =	shalt  }
0x4f: {  	_ =	shalt  }
0x50: {  	_ =	shalt  }
0x51: {  	_ =	shalt  }
0x52: {  	_ =	shalt  }
0x53: {  	_ =	shalt  }
0x54: {  	_ =	shalt  }
0x55: {  	_ =	shalt  }
0x56: {  	_ =	shalt  }
0x57: {  	_ =	shalt  }
0x58: {  	_ =	shalt  }
0x59: {  	_ =	shalt  }
0x5a: {  	_ =	shalt  }
0x5b: {  	_ =	shalt  }
0x5c: {  	_ =	shalt  }
0x5d: {  	_ =	shalt  }
0x5e: {  	_ =	shalt  }
0x5f: {  	_ =	shalt  }
0x60: {  	_ =	shalt  }
0x61: {  	_ =	shalt  }
0x62: {  	_ =	shalt  }
0x63: {  	_ =	shalt  }
0x64: {  	_ =	shalt  }
0x65: {  	_ =	shalt  }
0x66: {  	_ =	shalt  }
0x67: {  	_ =	shalt  }
0x68: {  	_ =	shalt  }
0x69: {  	_ =	shalt  }
0x6a: {  	_ =	shalt  }
0x6b: {  	_ =	shalt  }
0x6c: {  	_ =	shalt  }
0x6d: {  	_ =	shalt  }
0x6e: {  	_ =	shalt  }
0x6f: {  	_ =	shalt  }
0x70: {  	_ =	shalt  }
0x71: {  	_ =	shalt  }
0x72: {  	_ =	shalt  }
0x73: {  	_ =	shalt  }
0x74: {  	_ =	shalt  }
0x75: {  	_ =	shalt  }
0x76: {  	_ =	shalt  }
0x77: {  	_ =	shalt  }
0x78: {  	_ =	shalt  }
0x79: {  	_ =	shalt  }
0x7a: {  	_ =	shalt  }
0x7b: {  	_ =	shalt  }
0x7c: {  	_ =	shalt  }
0x7d: {  	_ =	shalt  }
0x7e: {  	_ =	shalt  }
0x7f: {  	_ =	shalt  }
0x80: {  	_ =	shalt  }
0x81: {  	_ =	shalt  }
0x82: {  	_ =	shalt  }
0x83: {  	_ =	shalt  }
0x84: {  	_ =	shalt  }
0x85: {  	_ =	shalt  }
0x86: {  	_ =	shalt  }
0x87: {  	_ =	shalt  }
.Lfunc_end0:
.L_simem_size_0:
called_computation.4_lowered:
.L_overlay_start_0:
0x88: {  	s2 =	sld [smem:$0x3FD9]  }
0x89: {  	s3 =	sld [smem:$0x3FFE];
	_ =	sdelay $0x1  }
0x8a: {  	s1 =	srdreg.scid  }
0x8b: {  	s0 =	sand.u32 $0x1, s1  }
0x8c: {  	s17 =	sshll.u32 s0, $0xA;
	s2 =	sadd.s32 s3, s2  }
0x8d: {  	s2 =	sadd.s32 s2, s17  }
0x8e: {  	[smem:$0x3FC4] =	sst s2  }
0x8f: {  	_ = 	snop  }
0x90: {  	(tm) =	ssettm $0x1  }
0x91: {  	s18 =	sld [smem:$0x3FFB];
	_ =	sdelay $0x3  }
0x92: {  	_ =	strace s18  }
0x93: {  	s2 =	sld [smem:$0x3FFC];
	_ =	sdelay $0x3  }
0x94: {  	_ =	strace s2  }
0x95: {  	s2 =	sld [smem:$0x3FFD];
	_ =	sdelay $0x3  }
0x96: {  	_ =	strace s2  }
0x97: {  	_ =	strace $0x8FFFFFFF  }
0x98: {  	s19 =	sld [smem:$0x3FDB];
	_ =	sdelay $0x1  }
0x99: {  	s20 =	simm.s32 $_scs_section_size  }
0x9a: {  	s4 =	simm.s32 $_size__tile_overlayer_lowered;
	s5 =	simm.s32 $_tile_overlayer_lowered  }
0x9b: {  	s6 =	simm.s32 $0x1BFF;
	s21 =	sshll.u32 s5, $0x1;
	s3 =	sadd.s32 s20, s19  }
0x9c: {  	s22 =	simm.s32 $0x0;
	s4 =	sshll.u32 s4, $0x1;
	s5 =	sadd.s32 s21, s3  }
0x9d: {  	[timem:s22], [sflag:s6] =	dma.local [hbm:s5], s4  }
0x9e: {  	_ =	swait.ge [sflag:s6], s4  }
0x9f: {  	s4 =	ssub.s32 $0x0, s4;
	[sflag:s6] =	ssyncset.done $0x0  }
0xa0: {  	[sflag:s6] =	ssyncadd.s32 s4;
	_ =	sdelay $0x1  }
0xa1: {  	s23 =	simm.s32 $0x1B8B  }
0xa2: {  	_ =	swait.ge [sflag:s23], $0x1  }
0xa3: {  	[sflag:s23] =	ssyncset.done $0x0  }
0xa4: {  	[sflag:s23] =	ssyncadd.s32 $0xFFFFFFFF  }
0xa5: {  	s4 =	sld [smem:$0x0]  }
0xa6: {  	s5 =	sand.u32 $0xFFFFFFFE, s1  }
0xa7: {  	p0 =	sne.s32 s1, s5  }
0xa8: {  	s5 =	sshll.u32 @p0 s5, $0xE  }
0xa9: {  	s5 =	sadd.s32 @p0 $0x11B8D, s5;
	s6 =	sshll.u32 @p0 s4, $0x11  }
0xaa: {  	s5 =	sor.u32 @p0 s6, s5  }
0xab: {  	[sflag:s5] =	ssyncadd.remote.s32 @p0 $0x1;
	_ =	sdelay $0x1  }
0xac: {  	s5 =	simm.s32 @p0 $0x1B8D  }
0xad: {  	_ =	swait.eq @p0 [sflag:s5], $0x1  }
0xae: {  	[sflag:s5] =	ssyncadd.s32 @p0 $0xFFFFFFFF  }
0xaf: {  	s6 =	sshll.u32 @!p0 s1, $0xE  }
0xb0: {  	s6 =	sor.u32 @!p0 $0x4000, s6;
	s5 =	simm.s32 @!p0 $0x1B8D  }
0xb1: {  	s4 =	sshll.u32 @!p0 s4, $0x11;
	s6 =	sadd.s32 @!p0 $0x11B8D, s6;
	_ =	swait.eq @!p0 [sflag:s5], $0x1  }
0xb2: {  	s4 =	sor.u32 @!p0 s4, s6;
	[sflag:s5] =	ssyncadd.s32 @!p0 $0xFFFFFFFF  }
0xb3: {  	s25 =	simm.s32 $0x1B8E;
	s24 =	sld [smem:$0x3FFE];
	[sflag:s4] =	ssyncadd.remote.s32 @!p0 $0x1  }
0xb4: {  	s26 =	simm.s32 $execute0_lowered;
	[smem:$0x3FD2] =	sst s25  }
0xb5: {  	s5 =	sshll.u32 s26, $0x1;
	_ =	strace $0x8000004C;
	[dreg:$0x1] =	wrdreg $0xFFFFFFFF  }
0xb6: {  	s28 =	simm.s32 $_size_execute0_lowered;
	s3 =	sadd.s32 s3, s5;
	[dreg:$0x0] =	wrdreg $0x0  }
0xb7: {  	s5 =	sshll.u32 s28, $0x1;
	[dreg:$0x2] =	wrdreg s3  }
0xb8: {  	[dreg:$0x3] =	wrdreg s5  }
0xb9: {  	[dreg:$0x4] =	wrdreg $0xC0  }
0xba: {  	_ =	task [dreg:s22], $0x5FFFF  }
0xbb: {  	[dreg:$0x1] =	wrdreg $0xFFFFFFFF  }
0xbc: {  	[dreg:$0x0] =	wrdreg $0x60  }
0xbd: {  	[dreg:$0x2] =	wrdreg s24  }
0xbe: {  	[dreg:$0x3] =	wrdreg $0xB  }
0xbf: {  	_ =	task.clear_ibuf [dreg:s22], $0x4FFFF;
	_ =	strace $0x9000004C  }
0xc0: {  	s29 =	simm.s32 $0xB;
	_ =	strace $0x8000004E  }
0xc1: {  	_ =	swait.ge [sflag:s29], $0x1  }
0xc2: {  	[sflag:s29] =	ssyncadd.s32 $0xFFFFFFFF  }
0xc3: {  	_ =	strace $0x9000004E  }
0xc4: {  	_ =	sfence  }
0xc5: {  	s30 =	sld [smem:$0x0];
	_ =	sdelay $0x2  }
0xc6: {  	s31 =	sshll.u32 s1, $0xD;
	s1 =	sshrl.u32 s1, $0x2  }
0xc7: {  	s4 =	sand.u32 $0x4000, s31;
	s1 =	sadd.s32 s1, s30  }
0xc8: {  	s0 =	sor.u32 s4, s0;
	s1 =	sshll.u32 s1, $0x11  }
0xc9: {  	s0 =	sor.u32 s1, s0  }
0xca: {  	s0 =	sadd.s32 $0x8F2B, s0  }
0xcb: {  	[sflag:s0] =	ssyncadd.remote.s32 $0x1  }
0xcc: {  	_ =	sfence.sel $0xFFFF  }
0xcd: {  	[dreg:$0x0] =	wrdreg $0xFFFFFFFF;
	(pc) =	sbr.abs _section_cstart, $3  }
0xce: {  	[dreg:$0x1] =	wrdreg $0xFFFFFFFF  }
0xcf: {  	_ =	task.clear_ibuf [dreg:s22], $0x2FFFF;
	_ =	strace $0x9FFFFFFF  }
0xd0: {  	(tm) =	ssettm $0x7FFFFFFF  }
0xd1: {  	_ =	shalt  }
tec
execute0_lowered:
.L_overlay_start_1:
0x0: {  	(tag) =	ssettag $0x1  }
0x1: {  	s4 =	rddreg [dreg:$0x0]  }
0x2: {  	s0 =	rddreg [dreg:$0x1];
	s1 =	stileid.u32  }
0x3: {  	s2 =	simm.s32 $0x0;
	s3 =	srdreg.scid;
	s5 =	smul.u32 $0x7D0, s1  }
0x4: {  	[smem:$0x7FF] =	sst s2;
	s6 =	smul.u32 $0x1F400, s1;
	s7 =	sand.u32 $0x1, s3  }
0x5: {  	s3 =	sadd.s32 $0xF5CC00, s4;
	s8 =	ssub.s32 $0x2, s7;
	s9 =	smul.u32 $0x3E8, s7  }
0x6: {  	_ =	strace $0x8000004D;
	s7 =	smul.u32 $0xFA00, s7;
	s10 =	sshrl.u32 s8, $0x1  }
0x7: {  	s5 =	sadd.s32 s5, s4;
	s6 =	sadd.s32 s6, s4;
	s31 =	ssub.s32 s8, s10  }
0x8: {  	s5 =	sadd.s32 s9, s5;
	s6 =	sadd.s32 s7, s6;
	s7 =	simm.s32 $0x2  }
0x9: {  	s8 =	simm.s32 $0x3E8;
	s9 =	simm.s32 $0x1;
	s10 =	simm.s32 $0x0  }
0xa: {  	s4 =	smax.u32 s31, $0x1;
	s5 =	sadd.s32 $0x1F6E00, s5;
	s6 =	sadd.s32 $0x1FEC00, s6  }
.LBB2_1:
0xb: {  	s11 =	sadd.s32 $0x0, s5  }
0xc: {  	[tilespmem:s2], [sflag:$0x2] =	stream.linear.gather [hbm4b:s11+s2], $0x3E8, $0x38;
	[tilespmem:$0xFDE8] =	vst v63  }
0xd: {  	_ =	swait.ge [sflag:s7], $0x3E8  }
0xe: {  	[sflag:s7] =	ssyncset.done $0x0  }
0xf: {  	[sflag:s7] =	ssyncadd.s32 $0xFFFFFC18  }
0x10: {  	[tilespmem:s8], [sflag:$0x1] =	stream.indirect.gather [hbm4b:s3+s8], $0x40, s2, s8, $0xb8;
	[tilespmem:$0xFDE8] =	vst v63  }
0x11: {  	_ =	swait.ge [sflag:s9], $0xFA00  }
0x12: {  	[sflag:s9] =	ssyncset.done $0x0  }
0x13: {  	[sflag:s9] =	ssyncadd.s32 $0xFFFF0600  }
0x14: {  	[hbm4b:s6+s2] =	stream.linear.scatter [tilespmem:s8], [sflag:$0x2], $0xFA00, $0x38;
	[tilespmem:$0xFDE8] =	vst v63  }
0x15: {  	s12 =	simm.s32 $0x7D;
	_ =	swait.ge [sflag:s7], $0xFA00  }
0x16: {  	s13 =	simm.s32 $0xFA;
	s11 =	sadd.s32 $0x1F40, s6;
	[sflag:s7] =	ssyncset.done $0x0  }
.LBB2_2:
0x17: {  	s14 =	sadd.s32 s12, s5  }
0x18: {  	[sflag:s7] =	ssyncadd.s32 $0xFFFF0600;
	s12 =	smov.u32 s13;
	s15 =	sadd.s32 $0x7D, s13  }
0x19: {  	[tilespmem:s2], [sflag:$0x2] =	stream.linear.gather [hbm4b:s14+s2], $0x3E8, $0x38;
	[tilespmem:$0xFDE8] =	vst v63  }
0x1a: {  	p0 =	sne.s32 s13, $0x36B;
	_ =	swait.ge [sflag:s7], $0x3E8  }
0x1b: {  	[sflag:s7] =	ssyncset.done $0x0  }
0x1c: {  	[sflag:s7] =	ssyncadd.s32 $0xFFFFFC18  }
0x1d: {  	[tilespmem:s8], [sflag:$0x1] =	stream.indirect.gather [hbm4b:s3+s8], $0x40, s2, s8, $0xb8;
	[tilespmem:$0xFDE8] =	vst v63  }
0x1e: {  	_ =	swait.ge [sflag:s9], $0xFA00  }
.Ltmp0:
0x1f: {  	[sflag:s9] =	ssyncset.done $0x0;
	(pc) =	sbr.rel @p0 .LBB2_2-.Ltmp0, $4  }
0x20: {  	[sflag:s9] =	ssyncadd.s32 $0xFFFF0600  }
0x21: {  	[hbm4b:s11+s2] =	stream.linear.scatter [tilespmem:s8], [sflag:$0x2], $0xFA00, $0x38;
	[tilespmem:$0xFDE8] =	vst v63  }
0x22: {  	_ =	swait.ge [sflag:s7], $0xFA00  }
0x23: {  	s13 =	smov.u32 s15;
	s11 =	sadd.s32 $0x1F40, s11;
	[sflag:s7] =	ssyncset.done $0x0  }
0x24: {  	s12 =	sadd.s32 s12, s5;
	[sflag:s7] =	ssyncadd.s32 $0xFFFF0600  }
0x25: {  	[tilespmem:s2], [sflag:$0x2] =	stream.linear.gather [hbm4b:s12+s2], $0x3E8, $0x38;
	[tilespmem:$0xFDE8] =	vst v63  }
0x26: {  	_ =	swait.ge [sflag:s7], $0x3E8  }
0x27: {  	[sflag:s7] =	ssyncset.done $0x0  }
0x28: {  	[sflag:s7] =	ssyncadd.s32 $0xFFFFFC18  }
0x29: {  	[tilespmem:s8], [sflag:$0x1] =	stream.indirect.gather [hbm4b:s3+s8], $0x40, s2, s8, $0xb8;
	[tilespmem:$0xFDE8] =	vst v63  }
0x2a: {  	s10 =	sadd.s32 $0x1, s10;
	_ =	swait.ge [sflag:s9], $0xFA00  }
0x2b: {  	p0 =	sne.s32 s10, s4;
	[sflag:s9] =	ssyncset.done $0x0  }
.Ltmp1:
0x2c: {  	[sflag:s9] =	ssyncadd.s32 $0xFFFF0600;
	(pc) =	sbr.rel @p0 .LBB2_1-.Ltmp1, $4  }
0x2d: {  	[hbm4b:s11+s2] =	stream.linear.scatter [tilespmem:s8], [sflag:$0x2], $0xFA00, $0x38;
	[tilespmem:$0xFDE8] =	vst v63  }
0x2e: {  	_ =	swait.ge [sflag:s7], $0xFA00  }
0x2f: {  	[sflag:s7] =	ssyncset.done $0x0  }
0x30: {  	[sflag:s7] =	ssyncadd.s32 $0xFFFF0600  }
0x31: {  	_ =	sfence.sel $0x180000  }
0x32: {  	[bflag:$0x0] =	sbarrier.arrive $0xFFFF  }
0x33: {  	p0 =	sne.s32 s1, $0x0;
	_ =	strace $0x9000004D  }
0x34: {  	s0 =	sadd.s32 @!p0 $0x100000, s0;
	[bflag:$0x2] =	sbarrier.arrive $0xFFFF  }
0x35: {  	[sflag:s0] =	ssyncadd.tile.s32 @!p0 $0x1;
	_ =	shalt  }
.Lfunc_end2:
_tile_overlayer_lowered:
.L_overlay_start_2:
0x36: {  	(tag) =	ssettag $0x2  }
0x37: {  	s0 =	rddreg [dreg:$0x0];
	s2 =	stileid.u32  }
0x38: {  	s1 =	rddreg [dreg:$0x1];
	p0 =	sne.s32 s2, $0x0  }
0x39: {  	s3 =	rddreg [dreg:$0x2];
	[bflag:$0x3] =	sbarrier.arrive $0xFFFF;
	s2 =	simm.s32 @!p0 $0x1C02  }
0x3a: {  	[timem:s3], [sflag:s2] =	dma.local @!p0 [hbm:s0], s1  }
0x3b: {  	s0 =	simm.s32 @!p0 $0x2  }
0x3c: {  	_ =	swait.ge @!p0 [sflag:s0], s1  }
0x3d: {  	s1 =	ssub.s32 @!p0 $0x0, s1;
	[sflag:s0] =	ssyncset.done @!p0 $0x0  }
0x3e: {  	[sflag:s0] =	ssyncadd.s32 @!p0 s1  }
0x3f: {  	[bflag:$0x3] =	sbarrier.arrive $0xFFFF  }
0x40: {  	_ =	shalt  }

// kernel: kernel.19.cloned.1.call-start
scs
__scs_entry_jumppad:
0x0: {  	(pc) =	sbr.rel $0x88, $3  }
0x1: {  	(tag) =	ssettag $0x0;
	lr =	simm.s32 $0x1  }
0x2: {  	[smem:$0x3F9D] =	sst lr;
	_ =	strace $0xD0000000  }
0x3: {  	_ = 	snop  }
0x4: {  	_ = 	snop  }
0x5: {  	_ = 	snop  }
0x6: {  	_ = 	snop  }
0x7: {  	_ = 	snop  }
__scs_overlays_trampoline_lowered:
0x8: {  	[smem:$0x3FAC] =	sst s0  }
0x9: {  	[smem:$0x3FAD] =	sst s1  }
0xa: {  	[smem:$0x3FAE] =	sst s2  }
0xb: {  	[smem:$0x3FAF] =	sst s3  }
0xc: {  	[smem:$0x3FB0] =	sst s4  }
0xd: {  	[smem:$0x3FB1] =	sst s5  }
0xe: {  	[smem:$0x3FB2] =	sst s6  }
0xf: {  	[smem:$0x3FB3] =	sst s7  }
0x10: {  	[smem:$0x3FB4] =	sst s8  }
0x11: {  	[smem:$0x3FB5] =	sst s9;
	s0 =	simm.s32 @!p0 $0x0  }
0x12: {  	s1 =	sld [smem:$0x3F9B];
	s0 =	simm.s32 @p0 $0x1  }
0x13: {  	[smem:$0x3FB6] =	sst s0;
	s0 =	simm.s32 @!p1 $0x0  }
0x14: {  	s2 =	sld [smem:$0x3F9A];
	s0 =	simm.s32 @p1 $0x1  }
0x15: {  	[smem:$0x3FB7] =	sst s0;
	s0 =	simm.s32 @!p2 $0x0  }
0x16: {  	s3 =	sld [smem:$0x3FDB];
	s0 =	simm.s32 @p2 $0x1  }
0x17: {  	s4 =	simm.s32 $0x1BF5;
	[smem:$0x3FB9] =	sst s0  }
0x18: {  	s0 =	sld [smem:$0x3F9C];
	_ =	swait.ge [sflag:s4], $0x0  }
0x19: {  	s7 =	sld [smem:$0x3F9D]  }
0x1a: {  	s8 =	sadd.s32 $0xFFFFE003, lr  }
0x1b: {  	s9 =	sadd.s32 $0xFFFFFEF7, lr;
	s5 =	simm.s32 $0xFFFFFFFF;
	p2 =	slt.u32 s8, $0xFFFFF086  }
0x1c: {  	p1 =	slt.u32 s9, $0xF7A;
	s5 =	simm.s32 @!p2 $0x0  }
0x1d: {  	s5 =	simm.s32 @p1 $0x1;
	p0 =	seq.s32 s7, s2  }
0x1e: {  	s7 =	smul.u32 @!p0 $0xF7A, s2;
	p2 =	seq.s32 @!p0 s5, $0x0  }
0x1f: {  	s9 =	smul.u32 $0xF7A, s1;
	s8 =	simm.s32 @!p0 $0x1BF5;
	p2 =	por !p2, p0  }
0x20: {  	[sflag:s8] =	ssyncset.s32 @!p0 $0xFFFFF086;
	s6 =	sadd.s32 @!p0 s3, s7;
	s7 =	simm.s32 @!p0 $0x108  }
0x21: {  	s3 =	sadd.s32 s3, s9;
	s6 =	sadd.s32 @!p0 $0x88, s6;
	s7 =	simm.s32 @p2 $0x1082  }
0x22: {  	[simem:s7], [sflag:s8] =	dma.local @!p0 [hbm:s6], $0xF7A  }
0x23: {  	s9 =	sor.u32 $0xD0000000, s2;
	s6 =	simm.s32 $0x108;
	_ =	swait.ge @!p0 [sflag:s8], $0x0  }
0x24: {  	s3 =	sadd.s32 $0x88, s3;
	s6 =	simm.s32 @!p1 $0x1082;
	[sflag:s4] =	ssyncset.s32 $0xFFFFF086  }
0x25: {  	[simem:s6], [sflag:s4] =	dma.local [hbm:s3], $0xF7A  }
0x26: {  	[smem:$0x3F9D] =	sst s1;
	(tag) =	ssettag s2;
	_ =	strace s9  }
0x27: {  	s1 =	sld [smem:$0x3FAD]  }
0x28: {  	s2 =	sld [smem:$0x3FAE]  }
0x29: {  	s4 =	sld [smem:$0x3FB0]  }
0x2a: {  	p0 =	seq.s32 s5, $0x0;
	s5 =	sld [smem:$0x3FB1]  }
0x2b: {  	s6 =	sld [smem:$0x3FB2]  }
0x2c: {  	s7 =	sld [smem:$0x3FB3]  }
0x2d: {  	s3 =	simm.s32 $0x108;
	s8 =	sld [smem:$0x3FB4]  }
0x2e: {  	s3 =	simm.s32 @!p0 $0x1082;
	s9 =	sld [smem:$0x3FB5]  }
0x2f: {  	lr =	sadd.s32 s0, s3;
	s0 =	sld [smem:$0x3FAC]  }
0x30: {  	s3 =	sld [smem:$0x3FAF]  }
0x31: {  	[smem:$0x3FB8] =	sst s10  }
0x32: {  	s10 =	sld [smem:$0x3FB6];
	_ =	sdelay $0x3  }
0x33: {  	p0 =	seq.s32 s10, $0x1;
	s10 =	sld [smem:$0x3FB8];
	_ =	sdelay $0x3  }
0x34: {  	[smem:$0x3FB8] =	sst s10  }
0x35: {  	s10 =	sld [smem:$0x3FB7];
	_ =	sdelay $0x3  }
0x36: {  	p1 =	seq.s32 s10, $0x1;
	s10 =	sld [smem:$0x3FB8];
	_ =	sdelay $0x3  }
0x37: {  	[smem:$0x3FB8] =	sst s10  }
0x38: {  	s10 =	sld [smem:$0x3FB9]  }
0x39: {  	_ = 	snop;
	(pc) =	sbr.ind lr, $3  }
0x3a: {  	_ = 	snop  }
0x3b: {  	_ = 	snop  }
0x3c: {  	p2 =	seq.s32 s10, $0x1;
	s10 =	sld [smem:$0x3FB8]  }
0x3d: {  	_ =	shalt  }
0x3e: {  	_ =	shalt  }
0x3f: {  	_ =	shalt  }
0x40: {  	_ =	shalt  }
0x41: {  	_ =	shalt  }
0x42: {  	_ =	shalt  }
0x43: {  	_ =	shalt  }
0x44: {  	_ =	shalt  }
0x45: {  	_ =	shalt  }
0x46: {  	_ =	shalt  }
0x47: {  	_ =	shalt  }
0x48: {  	_ =	shalt  }
0x49: {  	_ =	shalt  }
0x4a: {  	_ =	shalt  }
0x4b: {  	_ =	shalt  }
0x4c: {  	_ =	shalt  }
0x4d: {  	_ =	shalt  }
0x4e: {  	_ =	shalt  }
0x4f: {  	_ =	shalt  }
0x50: {  	_ =	shalt  }
0x51: {  	_ =	shalt  }
0x52: {  	_ =	shalt  }
0x53: {  	_ =	shalt  }
0x54: {  	_ =	shalt  }
0x55: {  	_ =	shalt  }
0x56: {  	_ =	shalt  }
0x57: {  	_ =	shalt  }
0x58: {  	_ =	shalt  }
0x59: {  	_ =	shalt  }
0x5a: {  	_ =	shalt  }
0x5b: {  	_ =	shalt  }
0x5c: {  	_ =	shalt  }
0x5d: {  	_ =	shalt  }
0x5e: {  	_ =	shalt  }
0x5f: {  	_ =	shalt  }
0x60: {  	_ =	shalt  }
0x61: {  	_ =	shalt  }
0x62: {  	_ =	shalt  }
0x63: {  	_ =	shalt  }
0x64: {  	_ =	shalt  }
0x65: {  	_ =	shalt  }
0x66: {  	_ =	shalt  }
0x67: {  	_ =	shalt  }
0x68: {  	_ =	shalt  }
0x69: {  	_ =	shalt  }
0x6a: {  	_ =	shalt  }
0x6b: {  	_ =	shalt  }
0x6c: {  	_ =	shalt  }
0x6d: {  	_ =	shalt  }
0x6e: {  	_ =	shalt  }
0x6f: {  	_ =	shalt  }
0x70: {  	_ =	shalt  }
0x71: {  	_ =	shalt  }
0x72: {  	_ =	shalt  }
0x73: {  	_ =	shalt  }
0x74: {  	_ =	shalt  }
0x75: {  	_ =	shalt  }
0x76: {  	_ =	shalt  }
0x77: {  	_ =	shalt  }
0x78: {  	_ =	shalt  }
0x79: {  	_ =	shalt  }
0x7a: {  	_ =	shalt  }
0x7b: {  	_ =	shalt  }
0x7c: {  	_ =	shalt  }
0x7d: {  	_ =	shalt  }
0x7e: {  	_ =	shalt  }
0x7f: {  	_ =	shalt  }
0x80: {  	_ =	shalt  }
0x81: {  	_ =	shalt  }
0x82: {  	_ =	shalt  }
0x83: {  	_ =	shalt  }
0x84: {  	_ =	shalt  }
0x85: {  	_ =	shalt  }
0x86: {  	_ =	shalt  }
0x87: {  	_ =	shalt  }
.Lfunc_end0:
.L_simem_size_0:
called_computation.5_lowered:
.L_overlay_start_0:
0x88: {  	s2 =	sld [smem:$0x3FD9]  }
0x89: {  	s3 =	sld [smem:$0x3FFE];
	_ =	sdelay $0x1  }
0x8a: {  	s1 =	srdreg.scid  }
0x8b: {  	s0 =	sand.u32 $0x1, s1  }
0x8c: {  	s17 =	sshll.u32 s0, $0xA;
	s2 =	sadd.s32 s3, s2  }
0x8d: {  	s2 =	sadd.s32 s2, s17  }
0x8e: {  	[smem:$0x3FC4] =	sst s2  }
0x8f: {  	_ = 	snop  }
0x90: {  	(tm) =	ssettm $0x1  }
0x91: {  	s18 =	sld [smem:$0x3FFB];
	_ =	sdelay $0x3  }
0x92: {  	_ =	strace s18  }
0x93: {  	s2 =	sld [smem:$0x3FFC];
	_ =	sdelay $0x3  }
0x94: {  	_ =	strace s2  }
0x95: {  	s2 =	sld [smem:$0x3FFD];
	_ =	sdelay $0x3  }
0x96: {  	_ =	strace s2  }
0x97: {  	_ =	strace $0x8FFFFFFF  }
0x98: {  	s19 =	sld [smem:$0x3FDB];
	_ =	sdelay $0x1  }
0x99: {  	s20 =	simm.s32 $_scs_section_size  }
0x9a: {  	s4 =	simm.s32 $_size__tile_overlayer_lowered;
	s5 =	simm.s32 $_tile_overlayer_lowered  }
0x9b: {  	s6 =	simm.s32 $0x1BFF;
	s21 =	sshll.u32 s5, $0x1;
	s3 =	sadd.s32 s20, s19  }
0x9c: {  	s22 =	simm.s32 $0x0;
	s4 =	sshll.u32 s4, $0x1;
	s5 =	sadd.s32 s21, s3  }
0x9d: {  	[timem:s22], [sflag:s6] =	dma.local [hbm:s5], s4  }
0x9e: {  	_ =	swait.ge [sflag:s6], s4  }
0x9f: {  	s4 =	ssub.s32 $0x0, s4;
	[sflag:s6] =	ssyncset.done $0x0  }
0xa0: {  	[sflag:s6] =	ssyncadd.s32 s4;
	_ =	sdelay $0x1  }
0xa1: {  	s23 =	simm.s32 $0x1B8B  }
0xa2: {  	_ =	swait.ge [sflag:s23], $0x1  }
0xa3: {  	[sflag:s23] =	ssyncset.done $0x0  }
0xa4: {  	[sflag:s23] =	ssyncadd.s32 $0xFFFFFFFF  }
0xa5: {  	s4 =	sld [smem:$0x0]  }
0xa6: {  	s5 =	sand.u32 $0xFFFFFFFE, s1  }
0xa7: {  	p0 =	sne.s32 s1, s5  }
0xa8: {  	s5 =	sshll.u32 @p0 s5, $0xE  }
0xa9: {  	s5 =	sadd.s32 @p0 $0x11B8D, s5;
	s6 =	sshll.u32 @p0 s4, $0x11  }
0xaa: {  	s5 =	sor.u32 @p0 s6, s5  }
0xab: {  	[sflag:s5] =	ssyncadd.remote.s32 @p0 $0x1;
	_ =	sdelay $0x1  }
0xac: {  	s5 =	simm.s32 @p0 $0x1B8D  }
0xad: {  	_ =	swait.eq @p0 [sflag:s5], $0x1  }
0xae: {  	[sflag:s5] =	ssyncadd.s32 @p0 $0xFFFFFFFF  }
0xaf: {  	s6 =	sshll.u32 @!p0 s1, $0xE  }
0xb0: {  	s6 =	sor.u32 @!p0 $0x4000, s6;
	s5 =	simm.s32 @!p0 $0x1B8D  }
0xb1: {  	s4 =	sshll.u32 @!p0 s4, $0x11;
	s6 =	sadd.s32 @!p0 $0x11B8D, s6;
	_ =	swait.eq @!p0 [sflag:s5], $0x1  }
0xb2: {  	s4 =	sor.u32 @!p0 s4, s6;
	[sflag:s5] =	ssyncadd.s32 @!p0 $0xFFFFFFFF  }
0xb3: {  	s25 =	simm.s32 $0x1B8E;
	s24 =	sld [smem:$0x3FFE];
	[sflag:s4] =	ssyncadd.remote.s32 @!p0 $0x1  }
0xb4: {  	s26 =	simm.s32 $execute0_lowered;
	[smem:$0x3FD2] =	sst s25  }
0xb5: {  	s5 =	sshll.u32 s26, $0x1;
	_ =	strace $0x8000004F;
	[dreg:$0x1] =	wrdreg $0xFFFFFFFF  }
0xb6: {  	s28 =	simm.s32 $_size_execute0_lowered;
	s3 =	sadd.s32 s3, s5;
	[dreg:$0x0] =	wrdreg $0x0  }
0xb7: {  	s5 =	sshll.u32 s28, $0x1;
	[dreg:$0x2] =	wrdreg s3  }
0xb8: {  	[dreg:$0x3] =	wrdreg s5  }
0xb9: {  	[dreg:$0x4] =	wrdreg $0xC0  }
0xba: {  	_ =	task [dreg:s22], $0x5FFFF  }
0xbb: {  	[dreg:$0x1] =	wrdreg $0xFFFFFFFF  }
0xbc: {  	[dreg:$0x0] =	wrdreg $0x60  }
0xbd: {  	[dreg:$0x2] =	wrdreg s24  }
0xbe: {  	[dreg:$0x3] =	wrdreg $0xC  }
0xbf: {  	_ =	task.clear_ibuf [dreg:s22], $0x4FFFF;
	_ =	strace $0x9000004F  }
0xc0: {  	s29 =	simm.s32 $0xC;
	_ =	strace $0x80000051  }
0xc1: {  	_ =	swait.ge [sflag:s29], $0x1  }
0xc2: {  	[sflag:s29] =	ssyncadd.s32 $0xFFFFFFFF  }
0xc3: {  	_ =	strace $0x90000051  }
0xc4: {  	_ =	sfence  }
0xc5: {  	s30 =	sld [smem:$0x0];
	_ =	sdelay $0x2  }
0xc6: {  	s31 =	sshll.u32 s1, $0xD;
	s1 =	sshrl.u32 s1, $0x2  }
0xc7: {  	s4 =	sand.u32 $0x4000, s31;
	s1 =	sadd.s32 s1, s30  }
0xc8: {  	s0 =	sor.u32 s4, s0;
	s1 =	sshll.u32 s1, $0x11  }
0xc9: {  	s0 =	sor.u32 s1, s0  }
0xca: {  	s0 =	sadd.s32 $0x8F2B, s0  }
0xcb: {  	[sflag:s0] =	ssyncadd.remote.s32 $0x1  }
0xcc: {  	_ =	sfence.sel $0xFFFF  }
0xcd: {  	[dreg:$0x0] =	wrdreg $0xFFFFFFFF;
	(pc) =	sbr.abs _section_cstart, $3  }
0xce: {  	[dreg:$0x1] =	wrdreg $0xFFFFFFFF  }
0xcf: {  	_ =	task.clear_ibuf [dreg:s22], $0x2FFFF;
	_ =	strace $0x9FFFFFFF  }
0xd0: {  	(tm) =	ssettm $0x7FFFFFFF  }
0xd1: {  	_ =	shalt  }
tec
execute0_lowered:
.L_overlay_start_1:
0x0: {  	(tag) =	ssettag $0x1  }
0x1: {  	s4 =	rddreg [dreg:$0x0]  }
0x2: {  	s0 =	rddreg [dreg:$0x1];
	s1 =	stileid.u32  }
0x3: {  	s2 =	simm.s32 $0x0;
	s3 =	srdreg.scid;
	s5 =	smul.u32 $0x7D0, s1  }
0x4: {  	[smem:$0x7FF] =	sst s2;
	s6 =	smul.u32 $0x1F400, s1;
	s7 =	sand.u32 $0x1, s3  }
0x5: {  	s3 =	sadd.s32 $0xF5CC00, s4;
	s8 =	ssub.s32 $0x2, s7;
	s9 =	smul.u32 $0x3E8, s7  }
0x6: {  	_ =	strace $0x80000050;
	s7 =	smul.u32 $0xFA00, s7;
	s10 =	sshrl.u32 s8, $0x1  }
0x7: {  	s5 =	sadd.s32 s5, s4;
	s6 =	sadd.s32 s6, s4;
	s31 =	ssub.s32 s8, s10  }
0x8: {  	s5 =	sadd.s32 s9, s5;
	s6 =	sadd.s32 s7, s6;
	s7 =	simm.s32 $0x2  }
0x9: {  	s8 =	simm.s32 $0x3E8;
	s9 =	simm.s32 $0x1;
	s10 =	simm.s32 $0x0  }
0xa: {  	s4 =	smax.u32 s31, $0x1;
	s5 =	sadd.s32 $0x3F2C00, s5;
	s6 =	sadd.s32 $0x3FAA00, s6  }
.LBB2_1:
0xb: {  	s11 =	sadd.s32 $0x0, s5  }
0xc: {  	[tilespmem:s2], [sflag:$0x2] =	stream.linear.gather [hbm4b:s11+s2], $0x3E8, $0x38;
	[tilespmem:$0xFDE8] =	vst v63  }
0xd: {  	_ =	swait.ge [sflag:s7], $0x3E8  }
0xe: {  	[sflag:s7] =	ssyncset.done $0x0  }
0xf: {  	[sflag:s7] =	ssyncadd.s32 $0xFFFFFC18  }
0x10: {  	[tilespmem:s8], [sflag:$0x1] =	stream.indirect.gather [hbm4b:s3+s8], $0x40, s2, s8, $0xb8;
	[tilespmem:$0xFDE8] =	vst v63  }
0x11: {  	_ =	swait.ge [sflag:s9], $0xFA00  }
0x12: {  	[sflag:s9] =	ssyncset.done $0x0  }
0x13: {  	[sflag:s9] =	ssyncadd.s32 $0xFFFF0600  }
0x14: {  	[hbm4b:s6+s2] =	stream.linear.scatter [tilespmem:s8], [sflag:$0x2], $0xFA00, $0x38;
	[tilespmem:$0xFDE8] =	vst v63  }
0x15: {  	s12 =	simm.s32 $0x7D;
	_ =	swait.ge [sflag:s7], $0xFA00  }
0x16: {  	s13 =	simm.s32 $0xFA;
	s11 =	sadd.s32 $0x1F40, s6;
	[sflag:s7] =	ssyncset.done $0x0  }
.LBB2_2:
0x17: {  	s14 =	sadd.s32 s12, s5  }
0x18: {  	[sflag:s7] =	ssyncadd.s32 $0xFFFF0600;
	s12 =	smov.u32 s13;
	s15 =	sadd.s32 $0x7D, s13  }
0x19: {  	[tilespmem:s2], [sflag:$0x2] =	stream.linear.gather [hbm4b:s14+s2], $0x3E8, $0x38;
	[tilespmem:$0xFDE8] =	vst v63  }
0x1a: {  	p0 =	sne.s32 s13, $0x36B;
	_ =	swait.ge [sflag:s7], $0x3E8  }
0x1b: {  	[sflag:s7] =	ssyncset.done $0x0  }
0x1c: {  	[sflag:s7] =	ssyncadd.s32 $0xFFFFFC18  }
0x1d: {  	[tilespmem:s8], [sflag:$0x1] =	stream.indirect.gather [hbm4b:s3+s8], $0x40, s2, s8, $0xb8;
	[tilespmem:$0xFDE8] =	vst v63  }
0x1e: {  	_ =	swait.ge [sflag:s9], $0xFA00  }
.Ltmp0:
0x1f: {  	[sflag:s9] =	ssyncset.done $0x0;
	(pc) =	sbr.rel @p0 .LBB2_2-.Ltmp0, $4  }
0x20: {  	[sflag:s9] =	ssyncadd.s32 $0xFFFF0600  }
0x21: {  	[hbm4b:s11+s2] =	stream.linear.scatter [tilespmem:s8], [sflag:$0x2], $0xFA00, $0x38;
	[tilespmem:$0xFDE8] =	vst v63  }
0x22: {  	_ =	swait.ge [sflag:s7], $0xFA00  }
0x23: {  	s13 =	smov.u32 s15;
	s11 =	sadd.s32 $0x1F40, s11;
	[sflag:s7] =	ssyncset.done $0x0  }
0x24: {  	s12 =	sadd.s32 s12, s5;
	[sflag:s7] =	ssyncadd.s32 $0xFFFF0600  }
0x25: {  	[tilespmem:s2], [sflag:$0x2] =	stream.linear.gather [hbm4b:s12+s2], $0x3E8, $0x38;
	[tilespmem:$0xFDE8] =	vst v63  }
0x26: {  	_ =	swait.ge [sflag:s7], $0x3E8  }
0x27: {  	[sflag:s7] =	ssyncset.done $0x0  }
0x28: {  	[sflag:s7] =	ssyncadd.s32 $0xFFFFFC18  }
0x29: {  	[tilespmem:s8], [sflag:$0x1] =	stream.indirect.gather [hbm4b:s3+s8], $0x40, s2, s8, $0xb8;
	[tilespmem:$0xFDE8] =	vst v63  }
0x2a: {  	s10 =	sadd.s32 $0x1, s10;
	_ =	swait.ge [sflag:s9], $0xFA00  }
0x2b: {  	p0 =	sne.s32 s10, s4;
	[sflag:s9] =	ssyncset.done $0x0  }
.Ltmp1:
0x2c: {  	[sflag:s9] =	ssyncadd.s32 $0xFFFF0600;
	(pc) =	sbr.rel @p0 .LBB2_1-.Ltmp1, $4  }
0x2d: {  	[hbm4b:s11+s2] =	stream.linear.scatter [tilespmem:s8], [sflag:$0x2], $0xFA00, $0x38;
	[tilespmem:$0xFDE8] =	vst v63  }
0x2e: {  	_ =	swait.ge [sflag:s7], $0xFA00  }
0x2f: {  	[sflag:s7] =	ssyncset.done $0x0  }
0x30: {  	[sflag:s7] =	ssyncadd.s32 $0xFFFF0600  }
0x31: {  	_ =	sfence.sel $0x180000  }
0x32: {  	[bflag:$0x0] =	sbarrier.arrive $0xFFFF  }
0x33: {  	p0 =	sne.s32 s1, $0x0;
	_ =	strace $0x90000050  }
0x34: {  	s0 =	sadd.s32 @!p0 $0x100000, s0;
	[bflag:$0x2] =	sbarrier.arrive $0xFFFF  }
0x35: {  	[sflag:s0] =	ssyncadd.tile.s32 @!p0 $0x1;
	_ =	shalt  }
.Lfunc_end2:
_tile_overlayer_lowered:
.L_overlay_start_2:
0x36: {  	(tag) =	ssettag $0x2  }
0x37: {  	s0 =	rddreg [dreg:$0x0];
	s2 =	stileid.u32  }
0x38: {  	s1 =	rddreg [dreg:$0x1];
	p0 =	sne.s32 s2, $0x0  }
0x39: {  	s3 =	rddreg [dreg:$0x2];
	[bflag:$0x3] =	sbarrier.arrive $0xFFFF;
	s2 =	simm.s32 @!p0 $0x1C02  }
0x3a: {  	[timem:s3], [sflag:s2] =	dma.local @!p0 [hbm:s0], s1  }
0x3b: {  	s0 =	simm.s32 @!p0 $0x2  }
0x3c: {  	_ =	swait.ge @!p0 [sflag:s0], s1  }
0x3d: {  	s1 =	ssub.s32 @!p0 $0x0, s1;
	[sflag:s0] =	ssyncset.done @!p0 $0x0  }
0x3e: {  	[sflag:s0] =	ssyncadd.s32 @!p0 s1  }
0x3f: {  	[bflag:$0x3] =	sbarrier.arrive $0xFFFF  }
0x40: {  	_ =	shalt  }

// kernel: sparse-core-data-format-call.1.cloned.1.call-start
scs
called_computation.1_lowered:
.L_overlay_start_0:
0x0: {  	s2 =	sld [smem:$0x3FD9]  }
0x1: {  	s3 =	sld [smem:$0x3FFE];
	_ =	sdelay $0x1  }
0x2: {  	s1 =	srdreg.scid  }
0x3: {  	s0 =	sand.u32 $0x1, s1  }
0x4: {  	s18 =	sshll.u32 s0, $0xA;
	s2 =	sadd.s32 s3, s2  }
0x5: {  	s2 =	sadd.s32 s2, s18  }
0x6: {  	[smem:$0x3FC4] =	sst s2  }
0x7: {  	_ = 	snop  }
0x8: {  	s2 =	sld [smem:$0x3FC8];
	(tm) =	ssettm $0x1  }
0x9: {  	s19 =	sld [smem:$0x3FFB];
	_ =	sdelay $0x3  }
0xa: {  	_ =	strace s19  }
0xb: {  	s3 =	sld [smem:$0x3FFC];
	_ =	sdelay $0x3  }
0xc: {  	_ =	strace s3  }
0xd: {  	s3 =	sld [smem:$0x3FFD];
	_ =	sdelay $0x3  }
0xe: {  	_ =	strace s3  }
0xf: {  	_ =	strace $0x8FFFFFFF  }
0x10: {  	s20 =	sld [smem:$0x3FDB];
	_ =	sdelay $0x1  }
0x11: {  	s4 =	simm.s32 $_scs_section_size  }
0x12: {  	s5 =	simm.s32 $_size__tile_overlayer_lowered;
	s6 =	simm.s32 $_tile_overlayer_lowered  }
0x13: {  	s23 =	simm.s32 $0x1BFF;
	s22 =	sshll.u32 s6, $0x1;
	s3 =	sadd.s32 s4, s20  }
0x14: {  	s7 =	simm.s32 $0x0;
	s21 =	sshll.u32 s5, $0x1;
	s5 =	sadd.s32 s22, s3  }
0x15: {  	[timem:s7], [sflag:s23] =	dma.local [hbm:s5], s21  }
0x16: {  	_ =	swait.ge [sflag:s23], s21  }
0x17: {  	s4 =	ssub.s32 $0x0, s21;
	[sflag:s23] =	ssyncset.done $0x0  }
0x18: {  	[sflag:s23] =	ssyncadd.s32 s4;
	_ =	sdelay $0x1  }
0x19: {  	s24 =	simm.s32 $0x1B8B  }
0x1a: {  	_ =	swait.ge [sflag:s24], $0x1  }
0x1b: {  	[sflag:s24] =	ssyncset.done $0x0  }
0x1c: {  	s26 =	simm.s32 $0x1B8E;
	s25 =	sld [smem:$0x3FFE];
	[sflag:s24] =	ssyncadd.s32 $0xFFFFFFFF  }
0x1d: {  	s27 =	simm.s32 $execute0_lowered;
	[smem:$0x3FD2] =	sst s26  }
0x1e: {  	s5 =	sshll.u32 s27, $0x1;
	_ =	strace $0x80000046;
	[dreg:$0x1] =	wrdreg $0xFFFFFFFF  }
0x1f: {  	s28 =	simm.s32 $_size_execute0_lowered;
	s3 =	sadd.s32 s3, s5;
	[dreg:$0x0] =	wrdreg $0x0  }
0x20: {  	s5 =	sshll.u32 s28, $0x1;
	[dreg:$0x2] =	wrdreg s3  }
0x21: {  	[dreg:$0x3] =	wrdreg s5  }
0x22: {  	[dreg:$0x4] =	wrdreg $0xC0  }
0x23: {  	_ =	task [dreg:s7], $0x5FFFF  }
0x24: {  	[dreg:$0x1] =	wrdreg $0xFFFFFFFF  }
0x25: {  	[dreg:$0x0] =	wrdreg $0x60  }
0x26: {  	[dreg:$0x2] =	wrdreg s2  }
0x27: {  	[dreg:$0x3] =	wrdreg s25  }
0x28: {  	[dreg:$0x4] =	wrdreg $0x9  }
0x29: {  	_ =	task.clear_ibuf [dreg:s7], $0x5FFFF;
	_ =	strace $0x90000046  }
0x2a: {  	s29 =	simm.s32 $0x9;
	_ =	strace $0x80000048  }
0x2b: {  	_ =	swait.ge [sflag:s29], $0x1  }
0x2c: {  	[sflag:s29] =	ssyncadd.s32 $0xFFFFFFFF  }
0x2d: {  	_ =	strace $0x90000048  }
0x2e: {  	_ =	sfence  }
0x2f: {  	s30 =	sld [smem:$0x0];
	_ =	sdelay $0x2  }
0x30: {  	s31 =	sshll.u32 s1, $0xD;
	s1 =	sshrl.u32 s1, $0x2  }
0x31: {  	s3 =	sand.u32 $0x4000, s31;
	s1 =	sadd.s32 s1, s30  }
0x32: {  	s0 =	sor.u32 s3, s0;
	s1 =	sshll.u32 s1, $0x11  }
0x33: {  	s0 =	sor.u32 s1, s0  }
0x34: {  	s0 =	sadd.s32 $0x8F2B, s0  }
0x35: {  	[sflag:s0] =	ssyncadd.remote.s32 $0x1  }
0x36: {  	_ =	sfence.sel $0xFFFF  }
0x37: {  	[dreg:$0x0] =	wrdreg $0xFFFFFFFF;
	(pc) =	sbr.abs _section_cstart, $3  }
0x38: {  	[dreg:$0x1] =	wrdreg $0xFFFFFFFF  }
0x39: {  	_ =	task.clear_ibuf [dreg:s7], $0x2FFFF;
	_ =	strace $0x9FFFFFFF  }
0x3a: {  	(tm) =	ssettm $0x7FFFFFFF  }
0x3b: {  	_ =	shalt  }
tec
execute0_lowered:
.L_overlay_start_1:
0x0: {  	(tag) =	ssettag $0x1  }
0x1: {  	s0 =	srdreg.scid;
	s2 =	rddreg [dreg:$0x0]  }
0x2: {  	s5 =	rddreg [dreg:$0x1];
	s1 =	stileid.u32  }
0x3: {  	s4 =	simm.s32 $0x1;
	s6 =	simm.s32 $0x2;
	s15 =	simm.s32 $0x0  }
0x4: {  	p0 =	por $0x0, $0x0;
	s8 =	simm.s32 $0x80;
	s0 =	sshll.u32 s0, $0x4  }
0x5: {  	s14 =	simm.s32 $0x0;
	s9 =	simm.s32 $0x0;
	s3 =	sand.u32 $0x10, s0  }
.Ltmp0:
0x6: {  	s10 =	simm.s32 $0x0;
	s3 =	sor.u32 s1, s3;
	(pc) =	sbr.rel .LBB1_1-.Ltmp0, $4  }
0x7: {  	s0 =	rddreg [dreg:$0x2];
	_ =	strace $0x80000047;
	s3 =	sshll.u32 s3, $0x7  }
0x8: {  	s12 =	simm.s32 $0x0;
	[sflag:s4] =	ssyncpa.u1 $0x0;
	s7 =	ssub.s32 $0xF4200, s3  }
0x9: {  	s13 =	simm.s32 $0x0;
	[sflag:s6] =	ssyncpa.u1 $0x0;
	s6 =	sshrl.u32 s7, $0xC  }
0xa: {  	s5 =	sadd.s32 $0x2E00, s5;
	s11 =	smov.u32 s3;
	s7 =	sadd.s32 $0x2, s6  }
.LBB1_5:
0xb: {  	p1 =	slt.u32 s13, $0x2  }
0xc: {  	s17 =	smov.u32 s15;
	p2 =	sgt.s32 @!p1 s15, $0xF41C0;
	s16 =	sshra.s32 @!p1 s15, $0x1F  }
0xd: {  	p3 =	sgt.s32 @!p1 s14, $0x40;
	s18 =	sshra.s32 @!p1 s14, $0x1F;
	p2 =	por !p2, p1  }
0xe: {  	s15 =	sand.u32 @!p1 s16, s15;
	p3 =	por !p3, p1;
	s16 =	smov.u32 s14  }
0xf: {  	s14 =	sand.u32 @!p1 s18, s14;
	s17 =	simm.s32 @p2 $0xF41C0;
	s16 =	simm.s32 @p3 $0x40  }
0x10: {  	s15 =	ssub.s32 @!p1 s17, s15;
	s14 =	ssub.s32 @!p1 s16, s14  }
0x11: {  	s18 =	smov.u32 s12;
	s16 =	sadd.s32 @!p1 $0xFFF0BE40, s15;
	s17 =	sadd.s32 @!p1 $0xFFFFFFC0, s14  }
0x12: {  	s15 =	ssub.s32 @!p1 $0xF4240, s15;
	p2 =	sgt.s32 @!p1 s16, $0x7F;
	p3 =	sgt.s32 @!p1 s17, $0x3F  }
0x13: {  	s14 =	ssub.s32 @!p1 $0x80, s14;
	p2 =	por !p2, p1;
	p3 =	por !p3, p1  }
0x14: {  	s16 =	sadd.s32 $0x1000, s11;
	s15 =	simm.s32 @!p2 $0x0;
	s14 =	simm.s32 @!p3 $0x0  }
0x15: {  	p2 =	sgt.s32 s16, $0xF423F;
	s14 =	smul.u32 @!p1 s14, s15;
	s15 =	sadd.s32 $0x40, s12  }
0x16: {  	s18 =	smov.u32 @p2 s15  }
0x17: {  	s16 =	smov.u32 @p2 s3;
	p2 =	sgt.s32 s18, $0x3F  }
0x18: {  	s18 =	simm.s32 @p2 $0x0;
	p2 =	sne.s32 s13, s7  }
.Ltmp1:
0x19: {  	p0 =	por !p0, !p0;
	s17 =	simm.s32 @!p1 $0x2;
	(pc) =	sbr.rel @!p2 .LBB1_6-.Ltmp1, $4  }
0x1a: {  	s15 =	smov.u32 s9;
	s9 =	smov.u32 s11;
	s14 =	sand.u32 @!p1 $0x3FFFFFFF, s14  }
0x1b: {  	s11 =	smov.u32 s16;
	_ =	swait.ge @!p1 [sflag:s17], s14;
	s19 =	ssub.s32 @!p1 $0x0, s14  }
0x1c: {  	s14 =	smov.u32 s10;
	s13 =	sadd.s32 $0x1, s13;
	[sflag:s17] =	ssyncset.done @!p1 $0x0  }
0x1d: {  	s10 =	smov.u32 s12;
	s12 =	smov.u32 s18;
	[sflag:s17] =	ssyncadd.s32 @!p1 s19  }
.LBB1_1:
0x1e: {  	p1 =	sgt.u32 s13, s6  }
0x1f: {  	s16 =	sshrl.u32 @!p1 s12, $0x3  }
0x20: {  	s17 =	sshll.u32 @!p1 s11, $0x3;
	s16 =	smul.u32 @!p1 $0x7A1400, s16  }
0x21: {  	s18 =	sshll.u32 @!p1 s12, $0x7;
	s17 =	sand.u32 @!p1 $0xFFFFFC00, s17  }
0x22: {  	s16 =	sadd.s32 @!p1 s16, s17;
	s17 =	sand.u32 @!p1 $0x380, s18  }
0x23: {  	s18 =	sand.u32 @!p1 $0x7F, s11;
	s16 =	sor.u32 @!p1 s17, s16  }
0x24: {  	s17 =	sor.u32 @!p1 s18, s16  }
0x25: {  	s18 =	smulhi.u32 @!p1 $0x218D6287, s17;
	_ =	sdelay $0x1  }
0x26: {  	s16 =	smulhi.u32 @!p1 $0x218D6287, s16;
	s18 =	sshrl.u32 @!p1 s18, $0x11  }
0x27: {  	s18 =	smul.u32 @!p1 $0xF4280, s18  }
0x28: {  	s19 =	sxor.u32 @!p1 $0xFFFFFFFF, s13;
	s16 =	sshrl.u32 @!p1 s16, $0x11  }
0x29: {  	s19 =	sshll.u32 @!p1 s19, $0xD;
	s16 =	sand.u32 @!p1 $0x3F, s16;
	s17 =	ssub.s32 @!p1 s17, s18  }
0x2a: {  	s16 =	smul.u32 @!p1 $0x1E850, s16;
	s18 =	sshrl.u32 @!p1 s17, $0x3;
	s17 =	sand.u32 @!p1 $0x7, s17  }
0x2b: {  	s19 =	sand.u32 @!p1 $0x2000, s19;
	s18 =	sadd.s32 @!p1 s2, s18;
	s17 =	sshll.u32 @!p1 s17, $0x12  }
0x2c: {  	s16 =	sadd.s32 @!p1 s16, s18;
	s17 =	sor.u32 @!p1 $0x400, s17;
	s18 =	simm.s32 @!p1 $0x7A1400  }
0x2d: {  	[tilespmem:s19], [sflag:$0x1] =	stream.strided.gather @!p1 [hbm4b:s16+s17], $0x2000, s18, s17, $0x38;
	[tilespmem:$0x8100] =	vst v63  }
0x2e: {  	p1 =	seq.s32 s13, $0x0  }
0x2f: {  	p2 =	sge.u32 @!p1 s13, s7  }
0x30: {  	p1 =	por p1, p2  }
.Ltmp2:
0x31: {  	_ = 	snop;
	(pc) =	sbr.rel @p1 .LBB1_5-.Ltmp2, $1  }
0x32: {  	_ =	sdelay $0x3  }
0x33: {  	s16 =	simm.s32 $0x1  }
0x34: {  	_ =	swait.ge [sflag:s4], $0x2000;
	s16 =	simm.s32 @!p0 $0x0  }
0x35: {  	[sflag:s4] =	ssyncset.done $0x0;
	s17 =	sshll.u32 s16, $0xD  }
0x36: {  	[sflag:s4] =	ssyncadd.s32 $0xFFFFE000;
	s17 =	sor.u32 $0x40, s17  }
0x37: {  	s16 =	smul.u32 $0x8200, s16;
	v0 =	vld [tilespmem:s17+$0x30]  }
0x38: {  	v1 =	vld [tilespmem:s17+$0xFFFFFFD0]  }
0x39: {  	s16 =	sshrl.u32 s16, $0x2;
	v5 =	vld [tilespmem:s17+$0xFFFFFFE0]  }
0x3a: {  	v6 =	vld [tilespmem:s17+$0xFFFFFFF0];
	s19 =	sor.u32 $0x4000, s16  }
0x3b: {  	s31 =	sand.u32 $0x1, s13;
	v4 =	vld [tilespmem:s17+$0x0];
	s18 =	sadd.s32 $0x0, s19  }
0x3c: {  	v3 =	vld [tilespmem:s17+$0x10];
	s16 =	smul.u32 $0x8200, s31;
	[tilespmem:s18+$0x1C70 ss:$0x41] =	vst.msk $0xffff, v0  }
0x3d: {  	v2 =	vld [tilespmem:s17+$0x20];
	[tilespmem:s18+$0x410 ss:$0x41] =	vst.msk $0xffff, v1  }
0x3e: {  	s16 =	sshrl.u32 s16, $0x2;
	v1 =	vld [tilespmem:s17+$0xFFFFFFC0];
	[tilespmem:s18+$0x820 ss:$0x41] =	vst.msk $0xffff, v5;
	s17 =	sadd.s32 $0x80, s17  }
0x3f: {  	s20 =	simm.s32 $0x4;
	s21 =	simm.s32 $0x8;
	s16 =	sor.u32 $0x4000, s16;
	[tilespmem:s18+$0xC30 ss:$0x41] =	vst.msk $0xffff, v6;
	v0 =	vld [tilespmem:s17+$0x30]  }
.LBB1_3:
0x40: {  	p1 =	sne.s32 s21, $0xFC;
	v5 =	vld [tilespmem:s17+$0xFFFFFFD0];
	[tilespmem:s18+$0x1040 ss:$0x41] =	vst.msk $0xffff, v4  }
0x41: {  	v6 =	vld [tilespmem:s17+$0xFFFFFFE0];
	[tilespmem:s18+$0x1450 ss:$0x41] =	vst.msk $0xffff, v3  }
0x42: {  	s22 =	sshra.s32 s20, $0x2;
	s20 =	smov.u32 s21;
	v7 =	vld [tilespmem:s17+$0xFFFFFFF0];
	[tilespmem:s18+$0x1860 ss:$0x41] =	vst.msk $0xffff, v2  }
.Ltmp3:
0x43: {  	v4 =	vld [tilespmem:s17+$0x0];
	[tilespmem:s18+$0x0 ss:$0x41] =	vst.msk $0xffff, v1;
	s18 =	sadd.s32 s22, s19;
	(pc) =	sbr.rel @p1 .LBB1_3-.Ltmp3, $4  }
0x44: {  	v3 =	vld [tilespmem:s17+$0x10];
	[tilespmem:s18+$0x1C70 ss:$0x41] =	vst.msk $0xffff, v0  }
0x45: {  	[tilespmem:s18+$0x410 ss:$0x41] =	vst.msk $0xffff, v5;
	v2 =	vld [tilespmem:s17+$0x20]  }
0x46: {  	v1 =	vld [tilespmem:s17+$0xFFFFFFC0];
	[tilespmem:s18+$0x820 ss:$0x41] =	vst.msk $0xffff, v6;
	s17 =	sadd.s32 $0x80, s17  }
0x47: {  	s21 =	sadd.s32 $0x4, s21;
	v0 =	vld [tilespmem:s17+$0x30];
	[tilespmem:s18+$0xC30 ss:$0x41] =	vst.msk $0xffff, v7  }
0x48: {  	s21 =	sshll.u32 s9, $0x7;
	s22 =	sshll.u32 s10, $0x3;
	s20 =	sshra.s32 s20, $0x2  }
0x49: {  	p1 =	sgt.s32 s9, $0xF41C0;
	s30 =	sshra.s32 s9, $0x1F;
	s25 =	sshra.s32 s10, $0x1F  }
0x4a: {  	v5 =	vld [tilespmem:s17+$0xFFFFFFD0];
	s28 =	sshrl.u32 s10, $0x3;
	s23 =	sand.u32 $0xFFFFFC00, s21;
	s22 =	sand.u32 $0xFFFFFC00, s22  }
0x4b: {  	[tilespmem:s18+$0x1040 ss:$0x41] =	vst.msk $0xffff, v4;
	v58 =	vld [tilespmem:s17+$0xFFFFFFE0];
	s21 =	sand.u32 $0x380, s21;
	s19 =	sadd.s32 s20, s19;
	s22 =	sadd.s32 s22, s23  }
0x4c: {  	v59 =	vld [tilespmem:s17+$0xFFFFFFF0];
	[tilespmem:s18+$0x1450 ss:$0x41] =	vst.msk $0xffff, v3;
	s29 =	sor.u32 s21, s22;
	s21 =	smov.u32 s9;
	s22 =	sand.u32 s30, s9  }
0x4d: {  	v60 =	vld [tilespmem:s17+$0x0];
	[tilespmem:s18+$0x1860 ss:$0x41] =	vst.msk $0xffff, v2;
	s30 =	sand.u32 $0x7, s10;
	s20 =	sshrl.u32 s29, $0x7;
	s21 =	simm.s32 @!p1 $0xF41C0  }
0x4e: {  	v61 =	vld [tilespmem:s17+$0x10];
	[tilespmem:s18+$0x0 ss:$0x41] =	vst.msk $0xffff, v1;
	p1 =	sgt.s32 s10, $0x40;
	s24 =	ssub.s32 s21, s22;
	s21 =	smov.u32 s10  }
0x4f: {  	v62 =	vld [tilespmem:s17+$0x20];
	[tilespmem:s19+$0x1C70 ss:$0x41] =	vst.msk $0xffff, v0;
	s31 =	smulhi.u32 $0x218DEF5, s20;
	s22 =	sand.u32 s25, s10;
	s21 =	simm.s32 @!p1 $0x40  }
0x50: {  	v63 =	vld [tilespmem:s17+$0xFFFFFFC0];
	[tilespmem:s19+$0x410 ss:$0x41] =	vst.msk $0xffff, v5;
	s26 =	sadd.s32 $0xFFF0BE40, s24;
	s17 =	ssub.s32 $0xF4240, s24;
	s21 =	ssub.s32 s21, s22  }
0x51: {  	[tilespmem:s19+$0x820 ss:$0x41] =	vst.msk $0xffff, v58;
	s23 =	sshrl.u32 s31, $0xD;
	p1 =	sgt.s32 s26, $0x7F;
	s27 =	sadd.s32 $0xFFFFFFC0, s21  }
0x52: {  	[tilespmem:s19+$0xC30 ss:$0x41] =	vst.msk $0xffff, v59;
	s23 =	smul.u32 $0xF4240, s23;
	s18 =	ssub.s32 $0x80, s21;
	p2 =	sgt.s32 s27, $0x3F  }
.Ltmp4:
0x53: {  	[tilespmem:s19+$0x1040 ss:$0x41] =	vst.msk $0xffff, v60;
	s17 =	simm.s32 @p1 $0x0;
	s18 =	simm.s32 @p2 $0x0;
	(pc) =	sbr.rel .LBB1_5-.Ltmp4, $4  }
0x54: {  	s29 =	sand.u32 $0xF, s28;
	[tilespmem:s19+$0x1450 ss:$0x41] =	vst.msk $0xffff, v61;
	s20 =	ssub.s32 s20, s23;
	s17 =	smul.u32 s18, s17  }
0x55: {  	[tilespmem:s19+$0x1860 ss:$0x41] =	vst.msk $0xffff, v62;
	s21 =	sshll.u32 s30, $0x12;
	s20 =	sshll.u32 s20, $0x4;
	s18 =	sadd.s32 s5, s29  }
0x56: {  	[tilespmem:s19+$0x0 ss:$0x41] =	vst.msk $0xffff, v63;
	s31 =	sor.u32 $0x40, s21;
	s18 =	sadd.s32 s20, s18;
	s17 =	sand.u32 $0x3FFFFFFF, s17  }
0x57: {  	[hbm4b:s18+s31] =	stream.strided.scatter [tilespmem:s16], [sflag:$0x2], s17, s8, s31, $0x18;
	[tilespmem:$0x8100] =	vst v63  }
.LBB1_6:
0x58: {  	_ =	sfence.sel $0x180000  }
0x59: {  	s2 =	simm.s32 $0x1;
	[bflag:$0x0] =	sbarrier.arrive $0xFFFF  }
0x5a: {  	s31 =	simm.s32 $0x2;
	[sflag:s2] =	ssyncpa.u1 $0x1  }
0x5b: {  	[sflag:s31] =	ssyncpa.u1 $0x1  }
0x5c: {  	p0 =	sne.s32 s1, $0x0;
	_ =	strace $0x90000047  }
0x5d: {  	s0 =	sadd.s32 @!p0 $0x100000, s0;
	[bflag:$0x2] =	sbarrier.arrive $0xFFFF  }
0x5e: {  	[sflag:s0] =	ssyncadd.tile.s32 @!p0 $0x1;
	_ =	shalt  }
.Lfunc_end1:
_tile_overlayer_lowered:
.L_overlay_start_2:
0x5f: {  	(tag) =	ssettag $0x2  }
0x60: {  	s0 =	rddreg [dreg:$0x0];
	s2 =	stileid.u32  }
0x61: {  	s1 =	rddreg [dreg:$0x1];
	p0 =	sne.s32 s2, $0x0  }
0x62: {  	s3 =	rddreg [dreg:$0x2];
	[bflag:$0x3] =	sbarrier.arrive $0xFFFF;
	s2 =	simm.s32 @!p0 $0x1C01  }
0x63: {  	[timem:s3], [sflag:s2] =	dma.local @!p0 [hbm:s0], s1  }
0x64: {  	s0 =	simm.s32 @!p0 $0x1  }
0x65: {  	_ =	swait.ge @!p0 [sflag:s0], s1  }
0x66: {  	s1 =	ssub.s32 @!p0 $0x0, s1;
	[sflag:s0] =	ssyncset.done @!p0 $0x0  }
0x67: {  	[sflag:s0] =	ssyncadd.s32 @!p0 s1  }
0x68: {  	[bflag:$0x3] =	sbarrier.arrive $0xFFFF  }
0x69: {  	_ =	shalt  }

// kernel: sparse-core-data-format-call.cloned.1.call-start
scs
called_computation_lowered:
.L_overlay_start_0:
0x0: {  	s2 =	sld [smem:$0x3FD9]  }
0x1: {  	s3 =	sld [smem:$0x3FFE];
	_ =	sdelay $0x1  }
0x2: {  	s1 =	srdreg.scid  }
0x3: {  	s0 =	sand.u32 $0x1, s1  }
0x4: {  	s18 =	sshll.u32 s0, $0xA;
	s2 =	sadd.s32 s3, s2  }
0x5: {  	s2 =	sadd.s32 s2, s18  }
0x6: {  	[smem:$0x3FC4] =	sst s2  }
0x7: {  	_ = 	snop  }
0x8: {  	s2 =	sld [smem:$0x3FD0];
	(tm) =	ssettm $0x1  }
0x9: {  	s19 =	sld [smem:$0x3FFB];
	_ =	sdelay $0x3  }
0xa: {  	_ =	strace s19  }
0xb: {  	s3 =	sld [smem:$0x3FFC];
	_ =	sdelay $0x3  }
0xc: {  	_ =	strace s3  }
0xd: {  	s3 =	sld [smem:$0x3FFD];
	_ =	sdelay $0x3  }
0xe: {  	_ =	strace s3  }
0xf: {  	_ =	strace $0x8FFFFFFF  }
0x10: {  	s20 =	sld [smem:$0x3FDB];
	_ =	sdelay $0x1  }
0x11: {  	s4 =	simm.s32 $_scs_section_size  }
0x12: {  	s5 =	simm.s32 $_size__tile_overlayer_lowered;
	s6 =	simm.s32 $_tile_overlayer_lowered  }
0x13: {  	s23 =	simm.s32 $0x1BFF;
	s22 =	sshll.u32 s6, $0x1;
	s3 =	sadd.s32 s4, s20  }
0x14: {  	s7 =	simm.s32 $0x0;
	s21 =	sshll.u32 s5, $0x1;
	s5 =	sadd.s32 s22, s3  }
0x15: {  	[timem:s7], [sflag:s23] =	dma.local [hbm:s5], s21  }
0x16: {  	_ =	swait.ge [sflag:s23], s21  }
0x17: {  	s4 =	ssub.s32 $0x0, s21;
	[sflag:s23] =	ssyncset.done $0x0  }
0x18: {  	[sflag:s23] =	ssyncadd.s32 s4;
	_ =	sdelay $0x1  }
0x19: {  	s24 =	simm.s32 $0x1B8B  }
0x1a: {  	_ =	swait.ge [sflag:s24], $0x1  }
0x1b: {  	[sflag:s24] =	ssyncset.done $0x0  }
0x1c: {  	s26 =	simm.s32 $0x1B8E;
	s25 =	sld [smem:$0x3FFE];
	[sflag:s24] =	ssyncadd.s32 $0xFFFFFFFF  }
0x1d: {  	s27 =	simm.s32 $execute0_lowered;
	[smem:$0x3FD2] =	sst s26  }
0x1e: {  	s5 =	sshll.u32 s27, $0x1;
	_ =	strace $0x80000055;
	[dreg:$0x1] =	wrdreg $0xFFFFFFFF  }
0x1f: {  	s28 =	simm.s32 $_size_execute0_lowered;
	s3 =	sadd.s32 s3, s5;
	[dreg:$0x0] =	wrdreg $0x0  }
0x20: {  	s5 =	sshll.u32 s28, $0x1;
	[dreg:$0x2] =	wrdreg s3  }
0x21: {  	[dreg:$0x3] =	wrdreg s5  }
0x22: {  	[dreg:$0x4] =	wrdreg $0xC0  }
0x23: {  	_ =	task [dreg:s7], $0x5FFFF  }
0x24: {  	[dreg:$0x1] =	wrdreg $0xFFFFFFFF  }
0x25: {  	[dreg:$0x0] =	wrdreg $0x60  }
0x26: {  	[dreg:$0x2] =	wrdreg s25  }
0x27: {  	[dreg:$0x3] =	wrdreg s2  }
0x28: {  	[dreg:$0x4] =	wrdreg $0x9  }
0x29: {  	_ =	task.clear_ibuf [dreg:s7], $0x5FFFF;
	_ =	strace $0x90000055  }
0x2a: {  	s29 =	simm.s32 $0x9;
	_ =	strace $0x80000057  }
0x2b: {  	_ =	swait.ge [sflag:s29], $0x1  }
0x2c: {  	[sflag:s29] =	ssyncadd.s32 $0xFFFFFFFF  }
0x2d: {  	_ =	strace $0x90000057  }
0x2e: {  	_ =	sfence  }
0x2f: {  	s30 =	sld [smem:$0x0];
	_ =	sdelay $0x2  }
0x30: {  	s31 =	sshll.u32 s1, $0xD;
	s1 =	sshrl.u32 s1, $0x2  }
0x31: {  	s3 =	sand.u32 $0x4000, s31;
	s1 =	sadd.s32 s1, s30  }
0x32: {  	s0 =	sor.u32 s3, s0;
	s1 =	sshll.u32 s1, $0x11  }
0x33: {  	s0 =	sor.u32 s1, s0  }
0x34: {  	s0 =	sadd.s32 $0x8F2B, s0  }
0x35: {  	[sflag:s0] =	ssyncadd.remote.s32 $0x1  }
0x36: {  	_ =	sfence.sel $0xFFFF  }
0x37: {  	[dreg:$0x0] =	wrdreg $0xFFFFFFFF;
	(pc) =	sbr.abs _section_cstart, $3  }
0x38: {  	[dreg:$0x1] =	wrdreg $0xFFFFFFFF  }
0x39: {  	_ =	task.clear_ibuf [dreg:s7], $0x2FFFF;
	_ =	strace $0x9FFFFFFF  }
0x3a: {  	(tm) =	ssettm $0x7FFFFFFF  }
0x3b: {  	_ =	shalt  }
tec
execute0_lowered:
.L_overlay_start_1:
0x0: {  	(tag) =	ssettag $0x1  }
0x1: {  	s0 =	stileid.u32;
	s6 =	rddreg [dreg:$0x0]  }
0x2: {  	s2 =	rddreg [dreg:$0x1];
	s5 =	srdreg.scid  }
0x3: {  	s31 =	simm.s32 $0x2;
	s13 =	simm.s32 $0x0;
	s1 =	sshll.u32 s0, $0x7  }
0x4: {  	s14 =	simm.s32 $0x0;
	s12 =	simm.s32 $0x0;
	s3 =	sand.u32 $0x380, s1  }
0x5: {  	s5 =	sshll.u32 s5, $0x4;
	s6 =	sadd.s32 $0x2E00, s6;
	s4 =	ssub.s32 $0x400, s3  }
0x6: {  	s1 =	rddreg [dreg:$0x2];
	_ =	strace $0x80000056;
	s7 =	sand.u32 $0x380, s4  }
0x7: {  	s5 =	sand.u32 $0x10, s5;
	p0 =	sne.s32 s7, $0x0;
	s7 =	simm.s32 $0x1  }
.Ltmp0:
0x8: {  	s8 =	sshrl.u32 s4, $0xA;
	s7 =	simm.s32 @!p0 $0x0;
	(pc) =	sbr.rel .LBB1_1-.Ltmp0, $4  }
0x9: {  	s9 =	sor.u32 s0, s5;
	s4 =	simm.s32 $0x1;
	s30 =	sadd.s32 s7, s8  }
0xa: {  	s11 =	smov.u32 s3;
	[sflag:s4] =	ssyncpa.u1 $0x0;
	s5 =	smul.u32 $0x32, s30  }
0xb: {  	[sflag:s31] =	ssyncpa.u1 $0x0;
	p0 =	por $0x0, $0x0;
	s7 =	sshrl.u32 s9, $0x3  }
0xc: {  	s9 =	simm.s32 $0x2000;
	s10 =	smov.u32 s7;
	s8 =	sor.u32 $0x1, s5  }
.LBB1_4:
0xd: {  	s17 =	sand.u32 $0x1F80, s14;
	s13 =	sshll.u32 s13, $0xD  }
0xe: {  	[tilespmem:s16+$0x810 ss:$0x81] =	vst.msk $0xffff, v2;
	s18 =	sshrl.u32 s14, $0x3;
	s31 =	sand.u32 $0x7, s14;
	s17 =	sadd.s32 s2, s17  }
0xf: {  	[tilespmem:s16+$0x1020 ss:$0x81] =	vst.msk $0xffff, v0;
	s18 =	sand.u32 $0xF, s18;
	s14 =	sshll.u32 s31, $0x12;
	s13 =	sadd.s32 s13, s17  }
0x10: {  	[tilespmem:s16+$0x0 ss:$0x81] =	vst.msk $0xffff, v1;
	s14 =	sor.u32 $0x400, s14;
	s13 =	sadd.s32 s18, s13  }
0x11: {  	[hbm4b:s13+s14] =	stream.strided.scatter [tilespmem:s15], [sflag:$0x2], $0x2000, s9, s14, $0x20;
	[tilespmem:$0x8080] =	vst v63  }
.LBB1_5:
0x12: {  	s15 =	sadd.s32 $0x4, s10  }
0x13: {  	s13 =	sadd.s32 $0x400, s11;
	s17 =	smov.u32 s11;
	p2 =	sgt.s32 s15, $0xC7  }
0x14: {  	s17 =	smov.u32 @p2 s13  }
0x15: {  	s15 =	smov.u32 @p2 s7;
	p2 =	sgt.s32 s17, $0x3FF  }
0x16: {  	s17 =	smov.u32 @p2 s3;
	p2 =	sne.s32 s12, s8  }
.Ltmp1:
0x17: {  	p1 =	slt.u32 s12, $0x2;
	(pc) =	sbr.rel @!p2 .LBB1_6-.Ltmp1, $4  }
0x18: {  	s16 =	simm.s32 @!p1 $0x2  }
0x19: {  	s14 =	smov.u32 s11;
	p0 =	por !p0, !p0;
	_ =	swait.ge @!p1 [sflag:s16], $0x2000  }
0x1a: {  	s13 =	smov.u32 s10;
	[sflag:s16] =	ssyncset.done @!p1 $0x0;
	s10 =	smov.u32 s15  }
0x1b: {  	s12 =	sadd.s32 $0x1, s12;
	[sflag:s16] =	ssyncadd.s32 @!p1 $0xFFFFE000;
	s11 =	smov.u32 s17  }
.LBB1_1:
0x1c: {  	p1 =	sge.u32 s12, s5  }
0x1d: {  	s15 =	sand.u32 @!p1 $0x1FFFFFF, s10  }
0x1e: {  	s16 =	smulhi.u32 @!p1 $0x147AE15, s15;
	_ =	sdelay $0x1  }
0x1f: {  	s16 =	smul.u32 @!p1 $0xC8, s16  }
0x20: {  	s17 =	sxor.u32 @!p1 $0xFFFFFFFF, s12;
	s18 =	smul.u32 @!p1 $0xC80, s11  }
0x21: {  	s31 =	sadd.s32 $0xFFFFFFFF, s12;
	s17 =	sshll.u32 @!p1 s17, $0xD;
	s15 =	ssub.s32 @!p1 s15, s16  }
0x22: {  	s16 =	sand.u32 @!p1 $0x2000, s17;
	s17 =	sadd.s32 @!p1 s6, s18;
	s15 =	sshll.u32 @!p1 s15, $0x4  }
0x23: {  	s18 =	simm.s32 @!p1 $0x6400;
	s15 =	sadd.s32 @!p1 s15, s17;
	s17 =	simm.s32 @!p1 $0x40  }
0x24: {  	[tilespmem:s16], [sflag:$0x1] =	stream.strided.gather @!p1 [hbm4b:s15+s17], $0x2000, s18, s17, $0x38;
	[tilespmem:$0x8080] =	vst v63  }
0x25: {  	p1 =	sge.u32 s31, s5  }
.Ltmp2:
0x26: {  	_ = 	snop;
	(pc) =	sbr.rel @p1 .LBB1_5-.Ltmp2, $1  }
0x27: {  	_ =	sdelay $0x3  }
0x28: {  	s15 =	simm.s32 $0x1  }
0x29: {  	_ =	swait.ge [sflag:s4], $0x2000;
	s15 =	simm.s32 @!p0 $0x0  }
0x2a: {  	[sflag:s4] =	ssyncset.done $0x0;
	s16 =	sshll.u32 s15, $0xD  }
0x2b: {  	[sflag:s4] =	ssyncadd.s32 $0xFFFFE000;
	s19 =	sor.u32 $0x20, s16  }
0x2c: {  	s15 =	smul.u32 $0x8100, s15;
	v3 =	vld [tilespmem:s19+$0x10]  }
0x2d: {  	s30 =	sand.u32 $0x1, s12;
	v2 =	vld [tilespmem:s19+$0xFFFFFFF0]  }
0x2e: {  	s16 =	smul.u32 $0x8100, s30;
	s15 =	sshrl.u32 s15, $0x2;
	v0 =	vld [tilespmem:s19+$0x0]  }
0x2f: {  	v1 =	vld [tilespmem:s19+$0xFFFFFFE0];
	s17 =	sor.u32 $0x4000, s15  }
0x30: {  	s31 =	sshrl.u32 s16, $0x2;
	s16 =	sadd.s32 $0x0, s17  }
0x31: {  	s18 =	simm.s32 $0x4;
	s19 =	sadd.s32 $0x40, s19;
	s15 =	sor.u32 $0x4000, s31;
	[tilespmem:s16+$0x1830 ss:$0x81] =	vst.msk $0xffff, v3  }
.LBB1_3:
0x32: {  	v3 =	vld [tilespmem:s19+$0x10];
	p1 =	sne.s32 s18, $0x1FC;
	[tilespmem:s16+$0x810 ss:$0x81] =	vst.msk $0xffff, v2;
	s20 =	smov.u32 s18;
	s18 =	sadd.s32 $0x4, s18  }
.Ltmp3:
0x33: {  	v2 =	vld [tilespmem:s19+$0xFFFFFFF0];
	[tilespmem:s16+$0x1020 ss:$0x81] =	vst.msk $0xffff, v0;
	(pc) =	sbr.rel @p1 .LBB1_3-.Ltmp3, $4  }
0x34: {  	v0 =	vld [tilespmem:s19+$0x0];
	[tilespmem:s16+$0x0 ss:$0x81] =	vst.msk $0xffff, v1  }
0x35: {  	s16 =	sshra.s32 s20, $0x2;
	v1 =	vld [tilespmem:s19+$0xFFFFFFE0]  }
0x36: {  	s16 =	sadd.s32 s16, s17  }
0x37: {  	s19 =	sadd.s32 $0x40, s19;
	[tilespmem:s16+$0x1830 ss:$0x81] =	vst.msk $0xffff, v3  }
.Ltmp4:
0x38: {  	_ = 	snop;
	(pc) =	sbr.rel .LBB1_4-.Ltmp4, $1  }
0x39: {  	_ =	sdelay $0x3  }
.LBB1_6:
0x3a: {  	_ =	sfence.sel $0x180000  }
0x3b: {  	s2 =	simm.s32 $0x1;
	[bflag:$0x0] =	sbarrier.arrive $0xFFFF  }
0x3c: {  	s31 =	simm.s32 $0x2;
	[sflag:s2] =	ssyncpa.u1 $0x1  }
0x3d: {  	[sflag:s31] =	ssyncpa.u1 $0x1  }
0x3e: {  	p0 =	sne.s32 s0, $0x0;
	_ =	strace $0x90000056  }
0x3f: {  	s0 =	sadd.s32 @!p0 $0x100000, s1;
	[bflag:$0x2] =	sbarrier.arrive $0xFFFF  }
0x40: {  	[sflag:s0] =	ssyncadd.tile.s32 @!p0 $0x1;
	_ =	shalt  }
.Lfunc_end1:
_tile_overlayer_lowered:
.L_overlay_start_2:
0x41: {  	(tag) =	ssettag $0x2  }
0x42: {  	s0 =	rddreg [dreg:$0x0];
	s2 =	stileid.u32  }
0x43: {  	s1 =	rddreg [dreg:$0x1];
	p0 =	sne.s32 s2, $0x0  }
0x44: {  	s3 =	rddreg [dreg:$0x2];
	[bflag:$0x3] =	sbarrier.arrive $0xFFFF;
	s2 =	simm.s32 @!p0 $0x1C01  }
0x45: {  	[timem:s3], [sflag:s2] =	dma.local @!p0 [hbm:s0], s1  }
0x46: {  	s0 =	simm.s32 @!p0 $0x1  }
0x47: {  	_ =	swait.ge @!p0 [sflag:s0], s1  }
0x48: {  	s1 =	ssub.s32 @!p0 $0x0, s1;
	[sflag:s0] =	ssyncset.done @!p0 $0x0  }
0x49: {  	[sflag:s0] =	ssyncadd.s32 @!p0 s1  }
0x4a: {  	[bflag:$0x3] =	sbarrier.arrive $0xFFFF  }
0x4b: {  	_ =	shalt  }

</sc_bundles>
